<compile_context>
chip_gen: v7x
topology: tpu7x:2x2x1
jax: 0.10.2.dev20260603
libtpu: 0.0.44.dev20260713+nightly
codegen_flags: <defaults>
</compile_context>

<pallas_src>
import functools

import jax
import jax.numpy as jnp
import numpy as np
from jax import lax
from jax.experimental import pallas as pl
from jax.experimental.pallas import tpu as pltpu
from jax.experimental.pallas import tpu_sc as plsc

_SIZES = [1, 2, 4, 9]
_F = 26
_V = 100000
_E = 16
_B = 4096
_K = len(_SIZES)
_NC, _NS = 2, 16
_NW = _NC * _NS
_N = _B * _F
_RPW = _N // _NW
_CHK = 208


def _nas_masks():
    rows = []
    for i, m in enumerate(_SIZES):
        before = sum(_SIZES[:i])
        rows.append([0.0] * before + [1.0] * m + [0.0] * (_E - m - before))
    return np.array(rows, dtype=np.float32)


def _blockdiag_masks():
    m = _nas_masks()
    out = np.zeros((_F * _K, _F * _E), dtype=np.float32)
    for f in range(_F):
        out[f * _K:(f + 1) * _K, f * _E:(f + 1) * _E] = m
    return out


_MASKS_BD = _blockdiag_masks()

@functools.cache
def _make_sc_bias_gather():
    mesh = plsc.VectorSubcoreMesh(core_axis_name="c", subcore_axis_name="s")

    @functools.partial(
        pl.kernel,
        mesh=mesh,
        compiler_params=pltpu.CompilerParams(
            use_tc_tiling_on_sc=False, needs_layout_passes=False),
        out_type=jax.ShapeDtypeStruct((_N, 8), jnp.float32),
        scratch_types=[
            pltpu.VMEM((_RPW,), jnp.int32),
            pltpu.VMEM((_RPW, 8), jnp.float32),
            pltpu.SemaphoreType.DMA,
        ],
    )
    def _sc_bias(bias8_hbm, bridx_hbm, out_bias8, bridx_v, b8_v, sem_b):
        wid = lax.axis_index("s") * _NC + lax.axis_index("c")
        base = wid * _RPW
        pltpu.sync_copy(bridx_hbm.at[pl.ds(base, _RPW)], bridx_v)
        pltpu.async_copy(bias8_hbm.at[bridx_v], b8_v, sem_b).wait()
        pltpu.sync_copy(b8_v, out_bias8.at[pl.ds(base, _RPW)])

    return _sc_bias


@functools.cache
def _make_sc_gather():
    mesh = plsc.VectorSubcoreMesh(core_axis_name="c", subcore_axis_name="s")

    @functools.partial(
        pl.kernel,
        mesh=mesh,
        compiler_params=pltpu.CompilerParams(
            use_tc_tiling_on_sc=False, needs_layout_passes=False),
        out_type=jax.ShapeDtypeStruct((_N, _E), jnp.float32),
        scratch_types=[
            pltpu.VMEM((_RPW,), jnp.int32),
            pltpu.VMEM((_RPW,), jnp.int32),
            pltpu.VMEM((_E * _CHK,), jnp.int32),
            pltpu.VMEM((_E * _CHK, 8), jnp.float32),
            pltpu.VMEM((_RPW, _E), jnp.float32),
            pltpu.SemaphoreType.DMA,
        ],
    )
    def _sc_gather(emb8_hbm, ridx0_hbm, lane_hbm,
                   out_emb, ridx0_v, lane_v, ge_v, blk_v, emb_v, sem_e):
        wid = lax.axis_index("s") * _NC + lax.axis_index("c")
        base = wid * _RPW
        pltpu.sync_copy(ridx0_hbm.at[pl.ds(base, _RPW)], ridx0_v)
        pltpu.sync_copy(lane_hbm.at[pl.ds(base, _RPW)], lane_v)

        def _chunk(c, _):
            c0 = c * _CHK

            def _fill(g, _):
                j0 = g * 16
                rbase = ridx0_v[pl.ds(c0 + j0, 16)]
                for e in range(_E):
                    ge_v[pl.ds(e * _CHK + j0, 16)] = rbase + e * (_V // 8)
                return 0

            lax.fori_loop(0, _CHK // 16, _fill, 0)
            copies = [
                pltpu.async_copy(
                    emb8_hbm.at[ge_v.at[pl.ds(e * _CHK, _CHK)]],
                    blk_v.at[pl.ds(e * _CHK, _CHK)], sem_e)
                for e in range(_E)
            ]
            for cp in copies:
                cp.wait()

            def _extract(g, _):
                j0 = g * 16
                rows = lax.iota(jnp.int32, 16)
                lanes = lane_v[pl.ds(c0 + j0, 16)]
                dst = emb_v.at[pl.ds(c0 + j0, 16)]
                for e in range(_E):
                    vals = plsc.load_gather(
                        blk_v.at[pl.ds(e * _CHK + j0, 16)], [rows, lanes])
                    plsc.store_scatter(
                        dst, [rows, jnp.full((16,), e, jnp.int32)], vals)
                return 0

            lax.fori_loop(0, _CHK // 16, _extract, 0)
            return 0

        lax.fori_loop(0, _RPW // _CHK, _chunk, 0)
        pltpu.sync_copy(emb_v, out_emb.at[pl.ds(base, _RPW)])

    return _sc_gather


def _tc_body(x_ref, p_ref, m_ref, bias_ref, lane_ref, w1_ref, b1_ref, w2_ref,
             b2_ref, w3_ref, b3_ref, out_ref):
    x = x_ref[...]
    mean = jnp.mean(x, axis=0, keepdims=True)
    xc = x - mean
    var = jnp.mean(xc * xc, axis=0, keepdims=True)
    cm = jnp.dot(p_ref[...], m_ref[...],
                 preferred_element_type=jnp.float32)
    scale = cm * lax.rsqrt(var + 1e-3)
    xn = xc * scale
    h = jnp.dot(xn, w1_ref[...],
                preferred_element_type=jnp.float32) + b1_ref[...]
    h = jnp.maximum(h, 0.0)
    h = jnp.dot(h, w2_ref[...],
                preferred_element_type=jnp.float32) + b2_ref[...]
    h = jnp.maximum(h, 0.0)
    y = jnp.dot(h, w3_ref[...],
                preferred_element_type=jnp.float32) + b3_ref[...]
    b8 = bias_ref[...]
    lanes = lane_ref[...]
    sub = lax.broadcasted_iota(jnp.int32, b8.shape, 1) % 8
    picked = jnp.where(lanes == sub, b8, 0.0)
    bsum = jnp.sum(picked, axis=1, keepdims=True)
    out_ref[...] = jax.nn.sigmoid(y + bsum)


_tc_forward = pl.pallas_call(
    _tc_body,
    out_shape=jax.ShapeDtypeStruct((_B, 1), jnp.float32),
)


def kernel(inputs, emb_tables, bias_tables, nas_logits, W1, b1, W2, b2, W3, b3):
    inp = inputs.astype(jnp.int32)
    offs = (jnp.arange(_F, dtype=jnp.int32) * _V)[None, :]
    idx = (inp + offs).reshape(-1)
    bridx = idx >> 3
    fld = (jnp.arange(_F, dtype=jnp.int32) * (_E * _V // 8))[None, :]
    ridx0 = (fld + (inp >> 3)).reshape(-1)
    lane = (inp & 7).reshape(-1)
    lane_exp = jnp.repeat(inp & 7, 8, axis=1)
    emb8 = jnp.transpose(emb_tables, (0, 2, 1)).reshape(_F * _E * _V // 8, 8)
    bias8 = bias_tables.reshape(_F * _V // 8, 8)
    embs = _make_sc_gather()(emb8, ridx0, lane)
    bias8g = _make_sc_bias_gather()(bias8, bridx)
    x = embs.reshape(_B, _F * _E)
    bias8b = bias8g.reshape(_B, _F * 8)
    p = jax.nn.softmax(nas_logits, axis=1).reshape(1, _F * _K)
    out = _tc_forward(x, p, jnp.asarray(_MASKS_BD), bias8b, lane_exp,
                      W1, b1.reshape(1, -1), W2, b2.reshape(1, -1),
                      W3, b3.reshape(1, 1))
    return out.reshape(_B)

# --- scband reference (transcript-rebuilt; emitter-appended) ---
"""Pipeline reference for scband-dartspretrain-26972394618894 (READ-ONLY COPY).

The authoritative reference and input builder live on the scoring server;
editing this copy changes nothing except your own understanding.
"""

import jax, jax.numpy as jnp
import numpy as np

TARGET_VEC_SIZES = [1, 2, 4, 9]
NUM_FIELDS = 26
VOCAB = 100000
MAX_SIZE = sum(TARGET_VEC_SIZES)
BATCH = 4096
MLP_SIZES = [512, 256, 1]


def _build_masks():
    rows = []
    for i, m in enumerate(TARGET_VEC_SIZES):
        before = sum(TARGET_VEC_SIZES[:i])
        rows.append([0.0] * before + [1.0] * m + [0.0] * (MAX_SIZE - m - before))
    return np.array(rows, dtype=np.float32)


def _glorot(key, shape):
    limit = np.sqrt(6.0 / (shape[0] + shape[1]))
    return jax.random.uniform(key, shape, jnp.float32, -limit, limit)


def setup_inputs(seed: int = 0):
    key = jax.random.key(seed)
    ks = jax.random.split(key, 8)
    inputs = jax.random.randint(ks[0], (BATCH, NUM_FIELDS), 0, VOCAB)
    emb_tables = jax.random.normal(ks[1], (NUM_FIELDS, VOCAB, MAX_SIZE), jnp.float32) * 0.01
    bias_tables = jax.random.normal(ks[2], (NUM_FIELDS, VOCAB, 1), jnp.float32) * 0.01
    nas_logits = jnp.zeros((NUM_FIELDS, len(TARGET_VEC_SIZES)), jnp.float32)
    d_in = NUM_FIELDS * MAX_SIZE
    W1 = _glorot(ks[3], (d_in, MLP_SIZES[0]))
    b1 = jnp.zeros((MLP_SIZES[0],), jnp.float32)
    W2 = _glorot(ks[4], (MLP_SIZES[0], MLP_SIZES[1]))
    b2 = jnp.zeros((MLP_SIZES[1],), jnp.float32)
    W3 = _glorot(ks[5], (MLP_SIZES[1], MLP_SIZES[2]))
    b3 = jnp.zeros((MLP_SIZES[2],), jnp.float32)
    return {"inputs": inputs, "emb_tables": emb_tables, "bias_tables": bias_tables,
            "nas_logits": nas_logits, "W1": W1, "b1": b1, "W2": W2, "b2": b2,
            "W3": W3, "b3": b3}


def reference(inputs, emb_tables, bias_tables, nas_logits, W1, b1, W2, b2, W3, b3):
    masks = jnp.asarray(_build_masks())
    f_idx = jnp.arange(NUM_FIELDS)
    # per-field embedding gather: [B, F, E]
    embs = emb_tables[f_idx[None, :], inputs]
    # batch-norm per field/channel, training mode, no scale/center (eps matches tf.layers default 1e-3)
    mean = jnp.mean(embs, axis=0, keepdims=True)
    var = jnp.var(embs, axis=0, keepdims=True)
    embs_bn = (embs - mean) / jnp.sqrt(var + 1e-3)
    # DARTS soft dimension selection
    choice_probs = jax.nn.softmax(nas_logits, axis=1)
    choice_matrix = choice_probs @ masks  # [F, E]
    out_embs = choice_matrix[None, :, :] * embs_bn
    h = out_embs.reshape(out_embs.shape[0], -1)
    # MLP [416 -> 512 -> 256 -> 1], acts relu, relu, none
    h = jax.nn.relu(h @ W1 + b1)
    h = jax.nn.relu(h @ W2 + b2)
    h = h @ W3 + b3  # [B, 1]
    # per-field bias (dim-1) lookup and add_n
    bias_vals = bias_tables[f_idx[None, :], inputs]  # [B, F, 1]
    bias_sum = jnp.sum(bias_vals, axis=1)  # [B, 1]
    logits = jnp.sum(h + bias_sum, axis=1)  # [B]
    return jax.nn.sigmoid(logits)

if __name__ == "__main__":
    import jax
    _d = setup_inputs()
    print(jax.jit(kernel)(*tuple(_d.values())))

</pallas_src>

<mosaic_0001>
#map = affine_map<(d0, d1) -> (0, 0)>
#map1 = affine_map<(d0, d1) -> (0)>
module attributes {stable_mosaic.version = 14 : i64} {
  func.func @_sc_bias(%arg0: i32, %arg1: i32, %arg2: memref<325000x8xf32, #tpu.memory_space<hbm>>, %arg3: memref<106496xi32, #tpu.memory_space<hbm>>, %arg4: memref<106496x8xf32, #tpu.memory_space<hbm>>, %arg5: memref<3328xi32, #tpu.memory_space<vmem>>, %arg6: memref<3328x8xf32, #tpu.memory_space<vmem>>, %arg7: memref<!tpu.dma_semaphore, #tpu.memory_space<semaphore_mem>>) attributes {dimension_semantics = [#tpu.dimension_semantics<core_parallel>, #tpu.dimension_semantics<subcore_parallel>], iteration_bounds = array<i64: 2, 16>, scalar_prefetch = 0 : i64, scratch_operands = 3 : i64, tpu.core_type = #tpu.core_type<sc_vector_subcore>, window_params = [{transform_indices = #map}, {transform_indices = #map1}, {transform_indices = #map}]} {
    %mul3A = arith.constant 2 : i32
    %mul3A_0 = arith.muli %arg1, %mul3A : i32
    %add3A = arith.addi %mul3A_0, %arg0 : i32
    %mul3A_1 = arith.constant 3328 : i32
    %mul3A_2 = arith.muli %add3A, %mul3A_1 : i32
    "tpu.region"() ({
      %run_scoped3A = tpu.sem_alloc : memref<!tpu.dma_semaphore, #tpu.memory_space<semaphore_mem>>
      %dma_start3A_7 = tpu.memref_slice %arg3[%mul3A_2] : memref<106496xi32, #tpu.memory_space<hbm>> -> memref<3328xi32, #tpu.memory_space<hbm>>
      %dma_start3A_8 = tpu.memref_slice %arg3[%mul3A_2] : memref<106496xi32, #tpu.memory_space<hbm>> -> memref<3328xi32, #tpu.memory_space<hbm>>
      tpu.enqueue_dma source(%dma_start3A_8 : memref<3328xi32, #tpu.memory_space<hbm>>) target(%arg5 : memref<3328xi32, #tpu.memory_space<vmem>>) target_semaphore(%run_scoped3A : memref<!tpu.dma_semaphore, #tpu.memory_space<semaphore_mem>>)
      %dma_wait3A_9 = tpu.memref_slice %arg3[%mul3A_2] : memref<106496xi32, #tpu.memory_space<hbm>> -> memref<3328xi32, #tpu.memory_space<hbm>>
      %dma_wait3A_10 = tpu.memref_slice %arg3[%mul3A_2] : memref<106496xi32, #tpu.memory_space<hbm>> -> memref<3328xi32, #tpu.memory_space<hbm>>
      tpu.wait_dma2 semaphore(%run_scoped3A : memref<!tpu.dma_semaphore, #tpu.memory_space<semaphore_mem>>) src(%dma_wait3A_10 : memref<3328xi32, #tpu.memory_space<hbm>>) dst(%arg5 : memref<3328xi32, #tpu.memory_space<vmem>>)
      tpu.yield
    }) : () -> ()
    %dma_start3A = arith.constant 0 : i32
    %dma_start3A_3 = arith.constant 0 : i32
    %dma_start3A_4 = tpu.memref_slice %arg2[%dma_start3A, %dma_start3A_3] : memref<325000x8xf32, #tpu.memory_space<hbm>> -> memref<325000x8xf32, #tpu.memory_space<hbm>>
    tpu.enqueue_indirect_dma source(%dma_start3A_4 : memref<325000x8xf32, #tpu.memory_space<hbm>>) target(%arg6 : memref<3328x8xf32, #tpu.memory_space<vmem>>) offsets(%arg5 : memref<3328xi32, #tpu.memory_space<vmem>>) semaphore(%arg7 : memref<!tpu.dma_semaphore, #tpu.memory_space<semaphore_mem>>)
    %dma_wait3A = arith.constant 0 : i32
    %dma_wait3A_5 = arith.constant 0 : i32
    %dma_wait3A_6 = tpu.memref_slice %arg2[%dma_wait3A, %dma_wait3A_5] : memref<325000x8xf32, #tpu.memory_space<hbm>> -> memref<325000x8xf32, #tpu.memory_space<hbm>>
    tpu.wait_indirect_dma semaphore(%arg7 : memref<!tpu.dma_semaphore, #tpu.memory_space<semaphore_mem>>) src(%dma_wait3A_6 : memref<325000x8xf32, #tpu.memory_space<hbm>>) dst(%arg6 : memref<3328x8xf32, #tpu.memory_space<vmem>>)
    "tpu.region"() ({
      %run_scoped3A = tpu.sem_alloc : memref<!tpu.dma_semaphore, #tpu.memory_space<semaphore_mem>>
      %dma_start3A_7 = arith.constant 0 : i32
      %dma_start3A_8 = tpu.memref_slice %arg4[%mul3A_2, %dma_start3A_7] : memref<106496x8xf32, #tpu.memory_space<hbm>> -> memref<3328x8xf32, #tpu.memory_space<hbm>>
      %dma_start3A_9 = arith.constant 0 : i32
      %dma_start3A_10 = tpu.memref_slice %arg4[%mul3A_2, %dma_start3A_9] : memref<106496x8xf32, #tpu.memory_space<hbm>> -> memref<3328x8xf32, #tpu.memory_space<hbm>>
      tpu.enqueue_dma source(%arg6 : memref<3328x8xf32, #tpu.memory_space<vmem>>) target(%dma_start3A_10 : memref<3328x8xf32, #tpu.memory_space<hbm>>) target_semaphore(%run_scoped3A : memref<!tpu.dma_semaphore, #tpu.memory_space<semaphore_mem>>)
      %dma_wait3A_11 = arith.constant 0 : i32
      %dma_wait3A_12 = tpu.memref_slice %arg4[%mul3A_2, %dma_wait3A_11] : memref<106496x8xf32, #tpu.memory_space<hbm>> -> memref<3328x8xf32, #tpu.memory_space<hbm>>
      %dma_wait3A_13 = arith.constant 0 : i32
      %dma_wait3A_14 = tpu.memref_slice %arg4[%mul3A_2, %dma_wait3A_13] : memref<106496x8xf32, #tpu.memory_space<hbm>> -> memref<3328x8xf32, #tpu.memory_space<hbm>>
      tpu.wait_dma2 semaphore(%run_scoped3A : memref<!tpu.dma_semaphore, #tpu.memory_space<semaphore_mem>>) src(%arg6 : memref<3328x8xf32, #tpu.memory_space<vmem>>) dst(%dma_wait3A_14 : memref<3328x8xf32, #tpu.memory_space<hbm>>)
      tpu.yield
    }) : () -> ()
    return
  }
}

#map = affine_map<(d0, d1) -> (0, 0)>
#map1 = affine_map<(d0, d1) -> (0)>
module attributes {stable_mosaic.version = 14 : i64} {
  func.func @_sc_gather(%arg0: i32, %arg1: i32, %arg2: memref<5200000x8xf32, #tpu.memory_space<hbm>>, %arg3: memref<106496xi32, #tpu.memory_space<hbm>>, %arg4: memref<106496xi32, #tpu.memory_space<hbm>>, %arg5: memref<106496x16xf32, #tpu.memory_space<hbm>>, %arg6: memref<3328xi32, #tpu.memory_space<vmem>>, %arg7: memref<3328xi32, #tpu.memory_space<vmem>>, %arg8: memref<3328xi32, #tpu.memory_space<vmem>>, %arg9: memref<3328x8xf32, #tpu.memory_space<vmem>>, %arg10: memref<3328x16xf32, #tpu.memory_space<vmem>>, %arg11: memref<!tpu.dma_semaphore, #tpu.memory_space<semaphore_mem>>) attributes {dimension_semantics = [#tpu.dimension_semantics<core_parallel>, #tpu.dimension_semantics<subcore_parallel>], iteration_bounds = array<i64: 2, 16>, scalar_prefetch = 0 : i64, scratch_operands = 6 : i64, tpu.core_type = #tpu.core_type<sc_vector_subcore>, window_params = [{transform_indices = #map}, {transform_indices = #map1}, {transform_indices = #map1}, {transform_indices = #map}]} {
    %mul3A = arith.constant 2 : i32
    %mul3A_0 = arith.muli %arg1, %mul3A : i32
    %add3A = arith.addi %mul3A_0, %arg0 : i32
    %mul3A_1 = arith.constant 3328 : i32
    %mul3A_2 = arith.muli %add3A, %mul3A_1 : i32
    "tpu.region"() ({
      %run_scoped3A = tpu.sem_alloc : memref<!tpu.dma_semaphore, #tpu.memory_space<semaphore_mem>>
      %dma_start3A = tpu.memref_slice %arg3[%mul3A_2] : memref<106496xi32, #tpu.memory_space<hbm>> -> memref<3328xi32, #tpu.memory_space<hbm>>
      %dma_start3A_9 = tpu.memref_slice %arg3[%mul3A_2] : memref<106496xi32, #tpu.memory_space<hbm>> -> memref<3328xi32, #tpu.memory_space<hbm>>
      tpu.enqueue_dma source(%dma_start3A_9 : memref<3328xi32, #tpu.memory_space<hbm>>) target(%arg6 : memref<3328xi32, #tpu.memory_space<vmem>>) target_semaphore(%run_scoped3A : memref<!tpu.dma_semaphore, #tpu.memory_space<semaphore_mem>>)
      %dma_wait3A = tpu.memref_slice %arg3[%mul3A_2] : memref<106496xi32, #tpu.memory_space<hbm>> -> memref<3328xi32, #tpu.memory_space<hbm>>
      %dma_wait3A_10 = tpu.memref_slice %arg3[%mul3A_2] : memref<106496xi32, #tpu.memory_space<hbm>> -> memref<3328xi32, #tpu.memory_space<hbm>>
      tpu.wait_dma2 semaphore(%run_scoped3A : memref<!tpu.dma_semaphore, #tpu.memory_space<semaphore_mem>>) src(%dma_wait3A_10 : memref<3328xi32, #tpu.memory_space<hbm>>) dst(%arg6 : memref<3328xi32, #tpu.memory_space<vmem>>)
      tpu.yield
    }) : () -> ()
    "tpu.region"() ({
      %run_scoped3A = tpu.sem_alloc : memref<!tpu.dma_semaphore, #tpu.memory_space<semaphore_mem>>
      %dma_start3A = tpu.memref_slice %arg4[%mul3A_2] : memref<106496xi32, #tpu.memory_space<hbm>> -> memref<3328xi32, #tpu.memory_space<hbm>>
      %dma_start3A_9 = tpu.memref_slice %arg4[%mul3A_2] : memref<106496xi32, #tpu.memory_space<hbm>> -> memref<3328xi32, #tpu.memory_space<hbm>>
      tpu.enqueue_dma source(%dma_start3A_9 : memref<3328xi32, #tpu.memory_space<hbm>>) target(%arg7 : memref<3328xi32, #tpu.memory_space<vmem>>) target_semaphore(%run_scoped3A : memref<!tpu.dma_semaphore, #tpu.memory_space<semaphore_mem>>)
      %dma_wait3A = tpu.memref_slice %arg4[%mul3A_2] : memref<106496xi32, #tpu.memory_space<hbm>> -> memref<3328xi32, #tpu.memory_space<hbm>>
      %dma_wait3A_10 = tpu.memref_slice %arg4[%mul3A_2] : memref<106496xi32, #tpu.memory_space<hbm>> -> memref<3328xi32, #tpu.memory_space<hbm>>
      tpu.wait_dma2 semaphore(%run_scoped3A : memref<!tpu.dma_semaphore, #tpu.memory_space<semaphore_mem>>) src(%dma_wait3A_10 : memref<3328xi32, #tpu.memory_space<hbm>>) dst(%arg7 : memref<3328xi32, #tpu.memory_space<vmem>>)
      tpu.yield
    }) : () -> ()
    %scan3A = arith.constant 0 : i32
    %scan3A_3 = arith.constant 0 : i32
    %scan3A_4 = arith.constant 16 : i32
    %scan3A_5 = arith.addi %scan3A_3, %scan3A_4 : i32
    %scan3A_6 = arith.constant 1 : i32
    %scan3A_7 = scf.for %scan3A_9 = %scan3A_3 to %scan3A_5 step %scan3A_6 iter_args(%scan3A_10 = %scan3A) -> (i32)  : i32 {
      %mul3A_11 = arith.constant 208 : i32
      %mul3A_12 = arith.muli %scan3A_9, %mul3A_11 : i32
      %scan3A_13 = arith.constant 0 : i32
      %scan3A_14 = arith.constant 0 : i32
      %scan3A_15 = arith.constant 13 : i32
      %scan3A_16 = arith.addi %scan3A_14, %scan3A_15 : i32
      %scan3A_17 = arith.constant 1 : i32
      %scan3A_18 = scf.for %scan3A_282 = %scan3A_14 to %scan3A_16 step %scan3A_17 iter_args(%scan3A_283 = %scan3A_13) -> (i32)  : i32 {
        %mul3A_284 = arith.constant 16 : i32
        %mul3A_285 = arith.muli %scan3A_282, %mul3A_284 : i32
        %add3A_286 = arith.addi %mul3A_12, %mul3A_285 : i32
        %get3A = arith.index_cast %add3A_286 : i32 to index
        %get3A_287 = tpu.vector_load %arg6[%get3A] {strides = array<i32>} : memref<3328xi32, #tpu.memory_space<vmem>>, vector<16xi32>,
        %add3A_288 = arith.constant 0 : i32
        %add3A_289 = vector.broadcast %add3A_288 : i32 to vector<16xi32>
        %add3A_290 = arith.addi %get3A_287, %add3A_289 : vector<16xi32>
        %add3A_291 = arith.constant 0 : i32
        %add3A_292 = arith.addi %add3A_291, %mul3A_285 : i32
        %swap3A = arith.index_cast %add3A_292 : i32 to index
        %swap3A_293 = tpu.vector_load %arg8[%swap3A] {strides = array<i32>} : memref<3328xi32, #tpu.memory_space<vmem>>, vector<16xi32>,
        tpu.vector_store %arg8[%swap3A], %add3A_290 {strides = array<i32>} : memref<3328xi32, #tpu.memory_space<vmem>>, vector<16xi32>,
        %add3A_294 = arith.constant 12500 : i32
        %add3A_295 = vector.broadcast %add3A_294 : i32 to vector<16xi32>
        %add3A_296 = arith.addi %get3A_287, %add3A_295 : vector<16xi32>
        %add3A_297 = arith.constant 208 : i32
        %add3A_298 = arith.addi %add3A_297, %mul3A_285 : i32
        %swap3A_299 = arith.index_cast %add3A_298 : i32 to index
        %swap3A_300 = tpu.vector_load %arg8[%swap3A_299] {strides = array<i32>} : memref<3328xi32, #tpu.memory_space<vmem>>, vector<16xi32>,
        tpu.vector_store %arg8[%swap3A_299], %add3A_296 {strides = array<i32>} : memref<3328xi32, #tpu.memory_space<vmem>>, vector<16xi32>,
        %add3A_301 = arith.constant 25000 : i32
        %add3A_302 = vector.broadcast %add3A_301 : i32 to vector<16xi32>
        %add3A_303 = arith.addi %get3A_287, %add3A_302 : vector<16xi32>
        %add3A_304 = arith.constant 416 : i32
        %add3A_305 = arith.addi %add3A_304, %mul3A_285 : i32
        %swap3A_306 = arith.index_cast %add3A_305 : i32 to index
        %swap3A_307 = tpu.vector_load %arg8[%swap3A_306] {strides = array<i32>} : memref<3328xi32, #tpu.memory_space<vmem>>, vector<16xi32>,
        tpu.vector_store %arg8[%swap3A_306], %add3A_303 {strides = array<i32>} : memref<3328xi32, #tpu.memory_space<vmem>>, vector<16xi32>,
        %add3A_308 = arith.constant 37500 : i32
        %add3A_309 = vector.broadcast %add3A_308 : i32 to vector<16xi32>
        %add3A_310 = arith.addi %get3A_287, %add3A_309 : vector<16xi32>
        %add3A_311 = arith.constant 624 : i32
        %add3A_312 = arith.addi %add3A_311, %mul3A_285 : i32
        %swap3A_313 = arith.index_cast %add3A_312 : i32 to index
        %swap3A_314 = tpu.vector_load %arg8[%swap3A_313] {strides = array<i32>} : memref<3328xi32, #tpu.memory_space<vmem>>, vector<16xi32>,
        tpu.vector_store %arg8[%swap3A_313], %add3A_310 {strides = array<i32>} : memref<3328xi32, #tpu.memory_space<vmem>>, vector<16xi32>,
        %add3A_315 = arith.constant 50000 : i32
        %add3A_316 = vector.broadcast %add3A_315 : i32 to vector<16xi32>
        %add3A_317 = arith.addi %get3A_287, %add3A_316 : vector<16xi32>
        %add3A_318 = arith.constant 832 : i32
        %add3A_319 = arith.addi %add3A_318, %mul3A_285 : i32
        %swap3A_320 = arith.index_cast %add3A_319 : i32 to index
        %swap3A_321 = tpu.vector_load %arg8[%swap3A_320] {strides = array<i32>} : memref<3328xi32, #tpu.memory_space<vmem>>, vector<16xi32>,
        tpu.vector_store %arg8[%swap3A_320], %add3A_317 {strides = array<i32>} : memref<3328xi32, #tpu.memory_space<vmem>>, vector<16xi32>,
        %add3A_322 = arith.constant 62500 : i32
        %add3A_323 = vector.broadcast %add3A_322 : i32 to vector<16xi32>
        %add3A_324 = arith.addi %get3A_287, %add3A_323 : vector<16xi32>
        %add3A_325 = arith.constant 1040 : i32
        %add3A_326 = arith.addi %add3A_325, %mul3A_285 : i32
        %swap3A_327 = arith.index_cast %add3A_326 : i32 to index
        %swap3A_328 = tpu.vector_load %arg8[%swap3A_327] {strides = array<i32>} : memref<3328xi32, #tpu.memory_space<vmem>>, vector<16xi32>,
        tpu.vector_store %arg8[%swap3A_327], %add3A_324 {strides = array<i32>} : memref<3328xi32, #tpu.memory_space<vmem>>, vector<16xi32>,
        %add3A_329 = arith.constant 75000 : i32
        %add3A_330 = vector.broadcast %add3A_329 : i32 to vector<16xi32>
        %add3A_331 = arith.addi %get3A_287, %add3A_330 : vector<16xi32>
        %add3A_332 = arith.constant 1248 : i32
        %add3A_333 = arith.addi %add3A_332, %mul3A_285 : i32
        %swap3A_334 = arith.index_cast %add3A_333 : i32 to index
        %swap3A_335 = tpu.vector_load %arg8[%swap3A_334] {strides = array<i32>} : memref<3328xi32, #tpu.memory_space<vmem>>, vector<16xi32>,
        tpu.vector_store %arg8[%swap3A_334], %add3A_331 {strides = array<i32>} : memref<3328xi32, #tpu.memory_space<vmem>>, vector<16xi32>,
        %add3A_336 = arith.constant 87500 : i32
        %add3A_337 = vector.broadcast %add3A_336 : i32 to vector<16xi32>
        %add3A_338 = arith.addi %get3A_287, %add3A_337 : vector<16xi32>
        %add3A_339 = arith.constant 1456 : i32
        %add3A_340 = arith.addi %add3A_339, %mul3A_285 : i32
        %swap3A_341 = arith.index_cast %add3A_340 : i32 to index
        %swap3A_342 = tpu.vector_load %arg8[%swap3A_341] {strides = array<i32>} : memref<3328xi32, #tpu.memory_space<vmem>>, vector<16xi32>,
        tpu.vector_store %arg8[%swap3A_341], %add3A_338 {strides = array<i32>} : memref<3328xi32, #tpu.memory_space<vmem>>, vector<16xi32>,
        %add3A_343 = arith.constant 100000 : i32
        %add3A_344 = vector.broadcast %add3A_343 : i32 to vector<16xi32>
        %add3A_345 = arith.addi %get3A_287, %add3A_344 : vector<16xi32>
        %add3A_346 = arith.constant 1664 : i32
        %add3A_347 = arith.addi %add3A_346, %mul3A_285 : i32
        %swap3A_348 = arith.index_cast %add3A_347 : i32 to index
        %swap3A_349 = tpu.vector_load %arg8[%swap3A_348] {strides = array<i32>} : memref<3328xi32, #tpu.memory_space<vmem>>, vector<16xi32>,
        tpu.vector_store %arg8[%swap3A_348], %add3A_345 {strides = array<i32>} : memref<3328xi32, #tpu.memory_space<vmem>>, vector<16xi32>,
        %add3A_350 = arith.constant 112500 : i32
        %add3A_351 = vector.broadcast %add3A_350 : i32 to vector<16xi32>
        %add3A_352 = arith.addi %get3A_287, %add3A_351 : vector<16xi32>
        %add3A_353 = arith.constant 1872 : i32
        %add3A_354 = arith.addi %add3A_353, %mul3A_285 : i32
        %swap3A_355 = arith.index_cast %add3A_354 : i32 to index
        %swap3A_356 = tpu.vector_load %arg8[%swap3A_355] {strides = array<i32>} : memref<3328xi32, #tpu.memory_space<vmem>>, vector<16xi32>,
        tpu.vector_store %arg8[%swap3A_355], %add3A_352 {strides = array<i32>} : memref<3328xi32, #tpu.memory_space<vmem>>, vector<16xi32>,
        %add3A_357 = arith.constant 125000 : i32
        %add3A_358 = vector.broadcast %add3A_357 : i32 to vector<16xi32>
        %add3A_359 = arith.addi %get3A_287, %add3A_358 : vector<16xi32>
        %add3A_360 = arith.constant 2080 : i32
        %add3A_361 = arith.addi %add3A_360, %mul3A_285 : i32
        %swap3A_362 = arith.index_cast %add3A_361 : i32 to index
        %swap3A_363 = tpu.vector_load %arg8[%swap3A_362] {strides = array<i32>} : memref<3328xi32, #tpu.memory_space<vmem>>, vector<16xi32>,
        tpu.vector_store %arg8[%swap3A_362], %add3A_359 {strides = array<i32>} : memref<3328xi32, #tpu.memory_space<vmem>>, vector<16xi32>,
        %add3A_364 = arith.constant 137500 : i32
        %add3A_365 = vector.broadcast %add3A_364 : i32 to vector<16xi32>
        %add3A_366 = arith.addi %get3A_287, %add3A_365 : vector<16xi32>
        %add3A_367 = arith.constant 2288 : i32
        %add3A_368 = arith.addi %add3A_367, %mul3A_285 : i32
        %swap3A_369 = arith.index_cast %add3A_368 : i32 to index
        %swap3A_370 = tpu.vector_load %arg8[%swap3A_369] {strides = array<i32>} : memref<3328xi32, #tpu.memory_space<vmem>>, vector<16xi32>,
        tpu.vector_store %arg8[%swap3A_369], %add3A_366 {strides = array<i32>} : memref<3328xi32, #tpu.memory_space<vmem>>, vector<16xi32>,
        %add3A_371 = arith.constant 150000 : i32
        %add3A_372 = vector.broadcast %add3A_371 : i32 to vector<16xi32>
        %add3A_373 = arith.addi %get3A_287, %add3A_372 : vector<16xi32>
        %add3A_374 = arith.constant 2496 : i32
        %add3A_375 = arith.addi %add3A_374, %mul3A_285 : i32
        %swap3A_376 = arith.index_cast %add3A_375 : i32 to index
        %swap3A_377 = tpu.vector_load %arg8[%swap3A_376] {strides = array<i32>} : memref<3328xi32, #tpu.memory_space<vmem>>, vector<16xi32>,
        tpu.vector_store %arg8[%swap3A_376], %add3A_373 {strides = array<i32>} : memref<3328xi32, #tpu.memory_space<vmem>>, vector<16xi32>,
        %add3A_378 = arith.constant 162500 : i32
        %add3A_379 = vector.broadcast %add3A_378 : i32 to vector<16xi32>
        %add3A_380 = arith.addi %get3A_287, %add3A_379 : vector<16xi32>
        %add3A_381 = arith.constant 2704 : i32
        %add3A_382 = arith.addi %add3A_381, %mul3A_285 : i32
        %swap3A_383 = arith.index_cast %add3A_382 : i32 to index
        %swap3A_384 = tpu.vector_load %arg8[%swap3A_383] {strides = array<i32>} : memref<3328xi32, #tpu.memory_space<vmem>>, vector<16xi32>,
        tpu.vector_store %arg8[%swap3A_383], %add3A_380 {strides = array<i32>} : memref<3328xi32, #tpu.memory_space<vmem>>, vector<16xi32>,
        %add3A_385 = arith.constant 175000 : i32
        %add3A_386 = vector.broadcast %add3A_385 : i32 to vector<16xi32>
        %add3A_387 = arith.addi %get3A_287, %add3A_386 : vector<16xi32>
        %add3A_388 = arith.constant 2912 : i32
        %add3A_389 = arith.addi %add3A_388, %mul3A_285 : i32
        %swap3A_390 = arith.index_cast %add3A_389 : i32 to index
        %swap3A_391 = tpu.vector_load %arg8[%swap3A_390] {strides = array<i32>} : memref<3328xi32, #tpu.memory_space<vmem>>, vector<16xi32>,
        tpu.vector_store %arg8[%swap3A_390], %add3A_387 {strides = array<i32>} : memref<3328xi32, #tpu.memory_space<vmem>>, vector<16xi32>,
        %add3A_392 = arith.constant 187500 : i32
        %add3A_393 = vector.broadcast %add3A_392 : i32 to vector<16xi32>
        %add3A_394 = arith.addi %get3A_287, %add3A_393 : vector<16xi32>
        %add3A_395 = arith.constant 3120 : i32
        %add3A_396 = arith.addi %add3A_395, %mul3A_285 : i32
        %swap3A_397 = arith.index_cast %add3A_396 : i32 to index
        %swap3A_398 = tpu.vector_load %arg8[%swap3A_397] {strides = array<i32>} : memref<3328xi32, #tpu.memory_space<vmem>>, vector<16xi32>,
        tpu.vector_store %arg8[%swap3A_397], %add3A_394 {strides = array<i32>} : memref<3328xi32, #tpu.memory_space<vmem>>, vector<16xi32>,
        %scan3A_399 = arith.constant 0 : i32
        scf.yield %scan3A_399 : i32
      }
      %scan3A_19 = arith.constant 13 : i32
      %dma_start3A = arith.constant 0 : i32
      %dma_start3A_20 = arith.constant 0 : i32
      %dma_start3A_21 = tpu.memref_slice %arg9[%dma_start3A, %dma_start3A_20] : memref<3328x8xf32, #tpu.memory_space<vmem>> -> memref<208x8xf32, #tpu.memory_space<vmem>>
      %dma_start3A_22 = arith.constant 0 : i32
      %dma_start3A_23 = tpu.memref_slice %arg8[%dma_start3A_22] : memref<3328xi32, #tpu.memory_space<vmem>> -> memref<208xi32, #tpu.memory_space<vmem>>
      %dma_start3A_24 = arith.constant 0 : i32
      %dma_start3A_25 = arith.constant 0 : i32
      %dma_start3A_26 = tpu.memref_slice %arg2[%dma_start3A_24, %dma_start3A_25] : memref<5200000x8xf32, #tpu.memory_space<hbm>> -> memref<5200000x8xf32, #tpu.memory_space<hbm>>
      tpu.enqueue_indirect_dma source(%dma_start3A_26 : memref<5200000x8xf32, #tpu.memory_space<hbm>>) target(%dma_start3A_21 : memref<208x8xf32, #tpu.memory_space<vmem>>) offsets(%dma_start3A_23 : memref<208xi32, #tpu.memory_space<vmem>>) semaphore(%arg11 : memref<!tpu.dma_semaphore, #tpu.memory_space<semaphore_mem>>)
      %dma_start3A_27 = arith.constant 208 : i32
      %dma_start3A_28 = arith.constant 0 : i32
      %dma_start3A_29 = tpu.memref_slice %arg9[%dma_start3A_27, %dma_start3A_28] : memref<3328x8xf32, #tpu.memory_space<vmem>> -> memref<208x8xf32, #tpu.memory_space<vmem>>
      %dma_start3A_30 = arith.constant 208 : i32
      %dma_start3A_31 = tpu.memref_slice %arg8[%dma_start3A_30] : memref<3328xi32, #tpu.memory_space<vmem>> -> memref<208xi32, #tpu.memory_space<vmem>>
      %dma_start3A_32 = arith.constant 0 : i32
      %dma_start3A_33 = arith.constant 0 : i32
      %dma_start3A_34 = tpu.memref_slice %arg2[%dma_start3A_32, %dma_start3A_33] : memref<5200000x8xf32, #tpu.memory_space<hbm>> -> memref<5200000x8xf32, #tpu.memory_space<hbm>>
      tpu.enqueue_indirect_dma source(%dma_start3A_34 : memref<5200000x8xf32, #tpu.memory_space<hbm>>) target(%dma_start3A_29 : memref<208x8xf32, #tpu.memory_space<vmem>>) offsets(%dma_start3A_31 : memref<208xi32, #tpu.memory_space<vmem>>) semaphore(%arg11 : memref<!tpu.dma_semaphore, #tpu.memory_space<semaphore_mem>>)
      %dma_start3A_35 = arith.constant 416 : i32
      %dma_start3A_36 = arith.constant 0 : i32
      %dma_start3A_37 = tpu.memref_slice %arg9[%dma_start3A_35, %dma_start3A_36] : memref<3328x8xf32, #tpu.memory_space<vmem>> -> memref<208x8xf32, #tpu.memory_space<vmem>>
      %dma_start3A_38 = arith.constant 416 : i32
      %dma_start3A_39 = tpu.memref_slice %arg8[%dma_start3A_38] : memref<3328xi32, #tpu.memory_space<vmem>> -> memref<208xi32, #tpu.memory_space<vmem>>
      %dma_start3A_40 = arith.constant 0 : i32
      %dma_start3A_41 = arith.constant 0 : i32
      %dma_start3A_42 = tpu.memref_slice %arg2[%dma_start3A_40, %dma_start3A_41] : memref<5200000x8xf32, #tpu.memory_space<hbm>> -> memref<5200000x8xf32, #tpu.memory_space<hbm>>
      tpu.enqueue_indirect_dma source(%dma_start3A_42 : memref<5200000x8xf32, #tpu.memory_space<hbm>>) target(%dma_start3A_37 : memref<208x8xf32, #tpu.memory_space<vmem>>) offsets(%dma_start3A_39 : memref<208xi32, #tpu.memory_space<vmem>>) semaphore(%arg11 : memref<!tpu.dma_semaphore, #tpu.memory_space<semaphore_mem>>)
      %dma_start3A_43 = arith.constant 624 : i32
      %dma_start3A_44 = arith.constant 0 : i32
      %dma_start3A_45 = tpu.memref_slice %arg9[%dma_start3A_43, %dma_start3A_44] : memref<3328x8xf32, #tpu.memory_space<vmem>> -> memref<208x8xf32, #tpu.memory_space<vmem>>
      %dma_start3A_46 = arith.constant 624 : i32
      %dma_start3A_47 = tpu.memref_slice %arg8[%dma_start3A_46] : memref<3328xi32, #tpu.memory_space<vmem>> -> memref<208xi32, #tpu.memory_space<vmem>>
      %dma_start3A_48 = arith.constant 0 : i32
      %dma_start3A_49 = arith.constant 0 : i32
      %dma_start3A_50 = tpu.memref_slice %arg2[%dma_start3A_48, %dma_start3A_49] : memref<5200000x8xf32, #tpu.memory_space<hbm>> -> memref<5200000x8xf32, #tpu.memory_space<hbm>>
      tpu.enqueue_indirect_dma source(%dma_start3A_50 : memref<5200000x8xf32, #tpu.memory_space<hbm>>) target(%dma_start3A_45 : memref<208x8xf32, #tpu.memory_space<vmem>>) offsets(%dma_start3A_47 : memref<208xi32, #tpu.memory_space<vmem>>) semaphore(%arg11 : memref<!tpu.dma_semaphore, #tpu.memory_space<semaphore_mem>>)
      %dma_start3A_51 = arith.constant 832 : i32
      %dma_start3A_52 = arith.constant 0 : i32
      %dma_start3A_53 = tpu.memref_slice %arg9[%dma_start3A_51, %dma_start3A_52] : memref<3328x8xf32, #tpu.memory_space<vmem>> -> memref<208x8xf32, #tpu.memory_space<vmem>>
      %dma_start3A_54 = arith.constant 832 : i32
      %dma_start3A_55 = tpu.memref_slice %arg8[%dma_start3A_54] : memref<3328xi32, #tpu.memory_space<vmem>> -> memref<208xi32, #tpu.memory_space<vmem>>
      %dma_start3A_56 = arith.constant 0 : i32
      %dma_start3A_57 = arith.constant 0 : i32
      %dma_start3A_58 = tpu.memref_slice %arg2[%dma_start3A_56, %dma_start3A_57] : memref<5200000x8xf32, #tpu.memory_space<hbm>> -> memref<5200000x8xf32, #tpu.memory_space<hbm>>
      tpu.enqueue_indirect_dma source(%dma_start3A_58 : memref<5200000x8xf32, #tpu.memory_space<hbm>>) target(%dma_start3A_53 : memref<208x8xf32, #tpu.memory_space<vmem>>) offsets(%dma_start3A_55 : memref<208xi32, #tpu.memory_space<vmem>>) semaphore(%arg11 : memref<!tpu.dma_semaphore, #tpu.memory_space<semaphore_mem>>)
      %dma_start3A_59 = arith.constant 1040 : i32
      %dma_start3A_60 = arith.constant 0 : i32
      %dma_start3A_61 = tpu.memref_slice %arg9[%dma_start3A_59, %dma_start3A_60] : memref<3328x8xf32, #tpu.memory_space<vmem>> -> memref<208x8xf32, #tpu.memory_space<vmem>>
      %dma_start3A_62 = arith.constant 1040 : i32
      %dma_start3A_63 = tpu.memref_slice %arg8[%dma_start3A_62] : memref<3328xi32, #tpu.memory_space<vmem>> -> memref<208xi32, #tpu.memory_space<vmem>>
      %dma_start3A_64 = arith.constant 0 : i32
      %dma_start3A_65 = arith.constant 0 : i32
      %dma_start3A_66 = tpu.memref_slice %arg2[%dma_start3A_64, %dma_start3A_65] : memref<5200000x8xf32, #tpu.memory_space<hbm>> -> memref<5200000x8xf32, #tpu.memory_space<hbm>>
      tpu.enqueue_indirect_dma source(%dma_start3A_66 : memref<5200000x8xf32, #tpu.memory_space<hbm>>) target(%dma_start3A_61 : memref<208x8xf32, #tpu.memory_space<vmem>>) offsets(%dma_start3A_63 : memref<208xi32, #tpu.memory_space<vmem>>) semaphore(%arg11 : memref<!tpu.dma_semaphore, #tpu.memory_space<semaphore_mem>>)
      %dma_start3A_67 = arith.constant 1248 : i32
      %dma_start3A_68 = arith.constant 0 : i32
      %dma_start3A_69 = tpu.memref_slice %arg9[%dma_start3A_67, %dma_start3A_68] : memref<3328x8xf32, #tpu.memory_space<vmem>> -> memref<208x8xf32, #tpu.memory_space<vmem>>
      %dma_start3A_70 = arith.constant 1248 : i32
      %dma_start3A_71 = tpu.memref_slice %arg8[%dma_start3A_70] : memref<3328xi32, #tpu.memory_space<vmem>> -> memref<208xi32, #tpu.memory_space<vmem>>
      %dma_start3A_72 = arith.constant 0 : i32
      %dma_start3A_73 = arith.constant 0 : i32
      %dma_start3A_74 = tpu.memref_slice %arg2[%dma_start3A_72, %dma_start3A_73] : memref<5200000x8xf32, #tpu.memory_space<hbm>> -> memref<5200000x8xf32, #tpu.memory_space<hbm>>
      tpu.enqueue_indirect_dma source(%dma_start3A_74 : memref<5200000x8xf32, #tpu.memory_space<hbm>>) target(%dma_start3A_69 : memref<208x8xf32, #tpu.memory_space<vmem>>) offsets(%dma_start3A_71 : memref<208xi32, #tpu.memory_space<vmem>>) semaphore(%arg11 : memref<!tpu.dma_semaphore, #tpu.memory_space<semaphore_mem>>)
      %dma_start3A_75 = arith.constant 1456 : i32
      %dma_start3A_76 = arith.constant 0 : i32
      %dma_start3A_77 = tpu.memref_slice %arg9[%dma_start3A_75, %dma_start3A_76] : memref<3328x8xf32, #tpu.memory_space<vmem>> -> memref<208x8xf32, #tpu.memory_space<vmem>>
      %dma_start3A_78 = arith.constant 1456 : i32
      %dma_start3A_79 = tpu.memref_slice %arg8[%dma_start3A_78] : memref<3328xi32, #tpu.memory_space<vmem>> -> memref<208xi32, #tpu.memory_space<vmem>>
      %dma_start3A_80 = arith.constant 0 : i32
      %dma_start3A_81 = arith.constant 0 : i32
      %dma_start3A_82 = tpu.memref_slice %arg2[%dma_start3A_80, %dma_start3A_81] : memref<5200000x8xf32, #tpu.memory_space<hbm>> -> memref<5200000x8xf32, #tpu.memory_space<hbm>>
      tpu.enqueue_indirect_dma source(%dma_start3A_82 : memref<5200000x8xf32, #tpu.memory_space<hbm>>) target(%dma_start3A_77 : memref<208x8xf32, #tpu.memory_space<vmem>>) offsets(%dma_start3A_79 : memref<208xi32, #tpu.memory_space<vmem>>) semaphore(%arg11 : memref<!tpu.dma_semaphore, #tpu.memory_space<semaphore_mem>>)
      %dma_start3A_83 = arith.constant 1664 : i32
      %dma_start3A_84 = arith.constant 0 : i32
      %dma_start3A_85 = tpu.memref_slice %arg9[%dma_start3A_83, %dma_start3A_84] : memref<3328x8xf32, #tpu.memory_space<vmem>> -> memref<208x8xf32, #tpu.memory_space<vmem>>
      %dma_start3A_86 = arith.constant 1664 : i32
      %dma_start3A_87 = tpu.memref_slice %arg8[%dma_start3A_86] : memref<3328xi32, #tpu.memory_space<vmem>> -> memref<208xi32, #tpu.memory_space<vmem>>
      %dma_start3A_88 = arith.constant 0 : i32
      %dma_start3A_89 = arith.constant 0 : i32
      %dma_start3A_90 = tpu.memref_slice %arg2[%dma_start3A_88, %dma_start3A_89] : memref<5200000x8xf32, #tpu.memory_space<hbm>> -> memref<5200000x8xf32, #tpu.memory_space<hbm>>
      tpu.enqueue_indirect_dma source(%dma_start3A_90 : memref<5200000x8xf32, #tpu.memory_space<hbm>>) target(%dma_start3A_85 : memref<208x8xf32, #tpu.memory_space<vmem>>) offsets(%dma_start3A_87 : memref<208xi32, #tpu.memory_space<vmem>>) semaphore(%arg11 : memref<!tpu.dma_semaphore, #tpu.memory_space<semaphore_mem>>)
      %dma_start3A_91 = arith.constant 1872 : i32
      %dma_start3A_92 = arith.constant 0 : i32
      %dma_start3A_93 = tpu.memref_slice %arg9[%dma_start3A_91, %dma_start3A_92] : memref<3328x8xf32, #tpu.memory_space<vmem>> -> memref<208x8xf32, #tpu.memory_space<vmem>>
      %dma_start3A_94 = arith.constant 1872 : i32
      %dma_start3A_95 = tpu.memref_slice %arg8[%dma_start3A_94] : memref<3328xi32, #tpu.memory_space<vmem>> -> memref<208xi32, #tpu.memory_space<vmem>>
      %dma_start3A_96 = arith.constant 0 : i32
      %dma_start3A_97 = arith.constant 0 : i32
      %dma_start3A_98 = tpu.memref_slice %arg2[%dma_start3A_96, %dma_start3A_97] : memref<5200000x8xf32, #tpu.memory_space<hbm>> -> memref<5200000x8xf32, #tpu.memory_space<hbm>>
      tpu.enqueue_indirect_dma source(%dma_start3A_98 : memref<5200000x8xf32, #tpu.memory_space<hbm>>) target(%dma_start3A_93 : memref<208x8xf32, #tpu.memory_space<vmem>>) offsets(%dma_start3A_95 : memref<208xi32, #tpu.memory_space<vmem>>) semaphore(%arg11 : memref<!tpu.dma_semaphore, #tpu.memory_space<semaphore_mem>>)
      %dma_start3A_99 = arith.constant 2080 : i32
      %dma_start3A_100 = arith.constant 0 : i32
      %dma_start3A_101 = tpu.memref_slice %arg9[%dma_start3A_99, %dma_start3A_100] : memref<3328x8xf32, #tpu.memory_space<vmem>> -> memref<208x8xf32, #tpu.memory_space<vmem>>
      %dma_start3A_102 = arith.constant 2080 : i32
      %dma_start3A_103 = tpu.memref_slice %arg8[%dma_start3A_102] : memref<3328xi32, #tpu.memory_space<vmem>> -> memref<208xi32, #tpu.memory_space<vmem>>
      %dma_start3A_104 = arith.constant 0 : i32
      %dma_start3A_105 = arith.constant 0 : i32
      %dma_start3A_106 = tpu.memref_slice %arg2[%dma_start3A_104, %dma_start3A_105] : memref<5200000x8xf32, #tpu.memory_space<hbm>> -> memref<5200000x8xf32, #tpu.memory_space<hbm>>
      tpu.enqueue_indirect_dma source(%dma_start3A_106 : memref<5200000x8xf32, #tpu.memory_space<hbm>>) target(%dma_start3A_101 : memref<208x8xf32, #tpu.memory_space<vmem>>) offsets(%dma_start3A_103 : memref<208xi32, #tpu.memory_space<vmem>>) semaphore(%arg11 : memref<!tpu.dma_semaphore, #tpu.memory_space<semaphore_mem>>)
      %dma_start3A_107 = arith.constant 2288 : i32
      %dma_start3A_108 = arith.constant 0 : i32
      %dma_start3A_109 = tpu.memref_slice %arg9[%dma_start3A_107, %dma_start3A_108] : memref<3328x8xf32, #tpu.memory_space<vmem>> -> memref<208x8xf32, #tpu.memory_space<vmem>>
      %dma_start3A_110 = arith.constant 2288 : i32
      %dma_start3A_111 = tpu.memref_slice %arg8[%dma_start3A_110] : memref<3328xi32, #tpu.memory_space<vmem>> -> memref<208xi32, #tpu.memory_space<vmem>>
      %dma_start3A_112 = arith.constant 0 : i32
      %dma_start3A_113 = arith.constant 0 : i32
      %dma_start3A_114 = tpu.memref_slice %arg2[%dma_start3A_112, %dma_start3A_113] : memref<5200000x8xf32, #tpu.memory_space<hbm>> -> memref<5200000x8xf32, #tpu.memory_space<hbm>>
      tpu.enqueue_indirect_dma source(%dma_start3A_114 : memref<5200000x8xf32, #tpu.memory_space<hbm>>) target(%dma_start3A_109 : memref<208x8xf32, #tpu.memory_space<vmem>>) offsets(%dma_start3A_111 : memref<208xi32, #tpu.memory_space<vmem>>) semaphore(%arg11 : memref<!tpu.dma_semaphore, #tpu.memory_space<semaphore_mem>>)
      %dma_start3A_115 = arith.constant 2496 : i32
      %dma_start3A_116 = arith.constant 0 : i32
      %dma_start3A_117 = tpu.memref_slice %arg9[%dma_start3A_115, %dma_start3A_116] : memref<3328x8xf32, #tpu.memory_space<vmem>> -> memref<208x8xf32, #tpu.memory_space<vmem>>
      %dma_start3A_118 = arith.constant 2496 : i32
      %dma_start3A_119 = tpu.memref_slice %arg8[%dma_start3A_118] : memref<3328xi32, #tpu.memory_space<vmem>> -> memref<208xi32, #tpu.memory_space<vmem>>
      %dma_start3A_120 = arith.constant 0 : i32
      %dma_start3A_121 = arith.constant 0 : i32
      %dma_start3A_122 = tpu.memref_slice %arg2[%dma_start3A_120, %dma_start3A_121] : memref<5200000x8xf32, #tpu.memory_space<hbm>> -> memref<5200000x8xf32, #tpu.memory_space<hbm>>
      tpu.enqueue_indirect_dma source(%dma_start3A_122 : memref<5200000x8xf32, #tpu.memory_space<hbm>>) target(%dma_start3A_117 : memref<208x8xf32, #tpu.memory_space<vmem>>) offsets(%dma_start3A_119 : memref<208xi32, #tpu.memory_space<vmem>>) semaphore(%arg11 : memref<!tpu.dma_semaphore, #tpu.memory_space<semaphore_mem>>)
      %dma_start3A_123 = arith.constant 2704 : i32
      %dma_start3A_124 = arith.constant 0 : i32
      %dma_start3A_125 = tpu.memref_slice %arg9[%dma_start3A_123, %dma_start3A_124] : memref<3328x8xf32, #tpu.memory_space<vmem>> -> memref<208x8xf32, #tpu.memory_space<vmem>>
      %dma_start3A_126 = arith.constant 2704 : i32
      %dma_start3A_127 = tpu.memref_slice %arg8[%dma_start3A_126] : memref<3328xi32, #tpu.memory_space<vmem>> -> memref<208xi32, #tpu.memory_space<vmem>>
      %dma_start3A_128 = arith.constant 0 : i32
      %dma_start3A_129 = arith.constant 0 : i32
      %dma_start3A_130 = tpu.memref_slice %arg2[%dma_start3A_128, %dma_start3A_129] : memref<5200000x8xf32, #tpu.memory_space<hbm>> -> memref<5200000x8xf32, #tpu.memory_space<hbm>>
      tpu.enqueue_indirect_dma source(%dma_start3A_130 : memref<5200000x8xf32, #tpu.memory_space<hbm>>) target(%dma_start3A_125 : memref<208x8xf32, #tpu.memory_space<vmem>>) offsets(%dma_start3A_127 : memref<208xi32, #tpu.memory_space<vmem>>) semaphore(%arg11 : memref<!tpu.dma_semaphore, #tpu.memory_space<semaphore_mem>>)
      %dma_start3A_131 = arith.constant 2912 : i32
      %dma_start3A_132 = arith.constant 0 : i32
      %dma_start3A_133 = tpu.memref_slice %arg9[%dma_start3A_131, %dma_start3A_132] : memref<3328x8xf32, #tpu.memory_space<vmem>> -> memref<208x8xf32, #tpu.memory_space<vmem>>
      %dma_start3A_134 = arith.constant 2912 : i32
      %dma_start3A_135 = tpu.memref_slice %arg8[%dma_start3A_134] : memref<3328xi32, #tpu.memory_space<vmem>> -> memref<208xi32, #tpu.memory_space<vmem>>
      %dma_start3A_136 = arith.constant 0 : i32
      %dma_start3A_137 = arith.constant 0 : i32
      %dma_start3A_138 = tpu.memref_slice %arg2[%dma_start3A_136, %dma_start3A_137] : memref<5200000x8xf32, #tpu.memory_space<hbm>> -> memref<5200000x8xf32, #tpu.memory_space<hbm>>
      tpu.enqueue_indirect_dma source(%dma_start3A_138 : memref<5200000x8xf32, #tpu.memory_space<hbm>>) target(%dma_start3A_133 : memref<208x8xf32, #tpu.memory_space<vmem>>) offsets(%dma_start3A_135 : memref<208xi32, #tpu.memory_space<vmem>>) semaphore(%arg11 : memref<!tpu.dma_semaphore, #tpu.memory_space<semaphore_mem>>)
      %dma_start3A_139 = arith.constant 3120 : i32
      %dma_start3A_140 = arith.constant 0 : i32
      %dma_start3A_141 = tpu.memref_slice %arg9[%dma_start3A_139, %dma_start3A_140] : memref<3328x8xf32, #tpu.memory_space<vmem>> -> memref<208x8xf32, #tpu.memory_space<vmem>>
      %dma_start3A_142 = arith.constant 3120 : i32
      %dma_start3A_143 = tpu.memref_slice %arg8[%dma_start3A_142] : memref<3328xi32, #tpu.memory_space<vmem>> -> memref<208xi32, #tpu.memory_space<vmem>>
      %dma_start3A_144 = arith.constant 0 : i32
      %dma_start3A_145 = arith.constant 0 : i32
      %dma_start3A_146 = tpu.memref_slice %arg2[%dma_start3A_144, %dma_start3A_145] : memref<5200000x8xf32, #tpu.memory_space<hbm>> -> memref<5200000x8xf32, #tpu.memory_space<hbm>>
      tpu.enqueue_indirect_dma source(%dma_start3A_146 : memref<5200000x8xf32, #tpu.memory_space<hbm>>) target(%dma_start3A_141 : memref<208x8xf32, #tpu.memory_space<vmem>>) offsets(%dma_start3A_143 : memref<208xi32, #tpu.memory_space<vmem>>) semaphore(%arg11 : memref<!tpu.dma_semaphore, #tpu.memory_space<semaphore_mem>>)
      %dma_wait3A = arith.constant 0 : i32
      %dma_wait3A_147 = arith.constant 0 : i32
      %dma_wait3A_148 = tpu.memref_slice %arg9[%dma_wait3A, %dma_wait3A_147] : memref<3328x8xf32, #tpu.memory_space<vmem>> -> memref<208x8xf32, #tpu.memory_space<vmem>>
      %dma_wait3A_149 = arith.constant 0 : i32
      %dma_wait3A_150 = tpu.memref_slice %arg8[%dma_wait3A_149] : memref<3328xi32, #tpu.memory_space<vmem>> -> memref<208xi32, #tpu.memory_space<vmem>>
      %dma_wait3A_151 = arith.constant 0 : i32
      %dma_wait3A_152 = arith.constant 0 : i32
      %dma_wait3A_153 = tpu.memref_slice %arg2[%dma_wait3A_151, %dma_wait3A_152] : memref<5200000x8xf32, #tpu.memory_space<hbm>> -> memref<5200000x8xf32, #tpu.memory_space<hbm>>
      tpu.wait_indirect_dma semaphore(%arg11 : memref<!tpu.dma_semaphore, #tpu.memory_space<semaphore_mem>>) src(%dma_wait3A_153 : memref<5200000x8xf32, #tpu.memory_space<hbm>>) dst(%dma_wait3A_148 : memref<208x8xf32, #tpu.memory_space<vmem>>)
      %dma_wait3A_154 = arith.constant 208 : i32
      %dma_wait3A_155 = arith.constant 0 : i32
      %dma_wait3A_156 = tpu.memref_slice %arg9[%dma_wait3A_154, %dma_wait3A_155] : memref<3328x8xf32, #tpu.memory_space<vmem>> -> memref<208x8xf32, #tpu.memory_space<vmem>>
      %dma_wait3A_157 = arith.constant 208 : i32
      %dma_wait3A_158 = tpu.memref_slice %arg8[%dma_wait3A_157] : memref<3328xi32, #tpu.memory_space<vmem>> -> memref<208xi32, #tpu.memory_space<vmem>>
      %dma_wait3A_159 = arith.constant 0 : i32
      %dma_wait3A_160 = arith.constant 0 : i32
      %dma_wait3A_161 = tpu.memref_slice %arg2[%dma_wait3A_159, %dma_wait3A_160] : memref<5200000x8xf32, #tpu.memory_space<hbm>> -> memref<5200000x8xf32, #tpu.memory_space<hbm>>
      tpu.wait_indirect_dma semaphore(%arg11 : memref<!tpu.dma_semaphore, #tpu.memory_space<semaphore_mem>>) src(%dma_wait3A_161 : memref<5200000x8xf32, #tpu.memory_space<hbm>>) dst(%dma_wait3A_156 : memref<208x8xf32, #tpu.memory_space<vmem>>)
      %dma_wait3A_162 = arith.constant 416 : i32
      %dma_wait3A_163 = arith.constant 0 : i32
      %dma_wait3A_164 = tpu.memref_slice %arg9[%dma_wait3A_162, %dma_wait3A_163] : memref<3328x8xf32, #tpu.memory_space<vmem>> -> memref<208x8xf32, #tpu.memory_space<vmem>>
      %dma_wait3A_165 = arith.constant 416 : i32
      %dma_wait3A_166 = tpu.memref_slice %arg8[%dma_wait3A_165] : memref<3328xi32, #tpu.memory_space<vmem>> -> memref<208xi32, #tpu.memory_space<vmem>>
      %dma_wait3A_167 = arith.constant 0 : i32
      %dma_wait3A_168 = arith.constant 0 : i32
      %dma_wait3A_169 = tpu.memref_slice %arg2[%dma_wait3A_167, %dma_wait3A_168] : memref<5200000x8xf32, #tpu.memory_space<hbm>> -> memref<5200000x8xf32, #tpu.memory_space<hbm>>
      tpu.wait_indirect_dma semaphore(%arg11 : memref<!tpu.dma_semaphore, #tpu.memory_space<semaphore_mem>>) src(%dma_wait3A_169 : memref<5200000x8xf32, #tpu.memory_space<hbm>>) dst(%dma_wait3A_164 : memref<208x8xf32, #tpu.memory_space<vmem>>)
      %dma_wait3A_170 = arith.constant 624 : i32
      %dma_wait3A_171 = arith.constant 0 : i32
      %dma_wait3A_172 = tpu.memref_slice %arg9[%dma_wait3A_170, %dma_wait3A_171] : memref<3328x8xf32, #tpu.memory_space<vmem>> -> memref<208x8xf32, #tpu.memory_space<vmem>>
      %dma_wait3A_173 = arith.constant 624 : i32
      %dma_wait3A_174 = tpu.memref_slice %arg8[%dma_wait3A_173] : memref<3328xi32, #tpu.memory_space<vmem>> -> memref<208xi32, #tpu.memory_space<vmem>>
      %dma_wait3A_175 = arith.constant 0 : i32
      %dma_wait3A_176 = arith.constant 0 : i32
      %dma_wait3A_177 = tpu.memref_slice %arg2[%dma_wait3A_175, %dma_wait3A_176] : memref<5200000x8xf32, #tpu.memory_space<hbm>> -> memref<5200000x8xf32, #tpu.memory_space<hbm>>
      tpu.wait_indirect_dma semaphore(%arg11 : memref<!tpu.dma_semaphore, #tpu.memory_space<semaphore_mem>>) src(%dma_wait3A_177 : memref<5200000x8xf32, #tpu.memory_space<hbm>>) dst(%dma_wait3A_172 : memref<208x8xf32, #tpu.memory_space<vmem>>)
      %dma_wait3A_178 = arith.constant 832 : i32
      %dma_wait3A_179 = arith.constant 0 : i32
      %dma_wait3A_180 = tpu.memref_slice %arg9[%dma_wait3A_178, %dma_wait3A_179] : memref<3328x8xf32, #tpu.memory_space<vmem>> -> memref<208x8xf32, #tpu.memory_space<vmem>>
      %dma_wait3A_181 = arith.constant 832 : i32
      %dma_wait3A_182 = tpu.memref_slice %arg8[%dma_wait3A_181] : memref<3328xi32, #tpu.memory_space<vmem>> -> memref<208xi32, #tpu.memory_space<vmem>>
      %dma_wait3A_183 = arith.constant 0 : i32
      %dma_wait3A_184 = arith.constant 0 : i32
      %dma_wait3A_185 = tpu.memref_slice %arg2[%dma_wait3A_183, %dma_wait3A_184] : memref<5200000x8xf32, #tpu.memory_space<hbm>> -> memref<5200000x8xf32, #tpu.memory_space<hbm>>
      tpu.wait_indirect_dma semaphore(%arg11 : memref<!tpu.dma_semaphore, #tpu.memory_space<semaphore_mem>>) src(%dma_wait3A_185 : memref<5200000x8xf32, #tpu.memory_space<hbm>>) dst(%dma_wait3A_180 : memref<208x8xf32, #tpu.memory_space<vmem>>)
      %dma_wait3A_186 = arith.constant 1040 : i32
      %dma_wait3A_187 = arith.constant 0 : i32
      %dma_wait3A_188 = tpu.memref_slice %arg9[%dma_wait3A_186, %dma_wait3A_187] : memref<3328x8xf32, #tpu.memory_space<vmem>> -> memref<208x8xf32, #tpu.memory_space<vmem>>
      %dma_wait3A_189 = arith.constant 1040 : i32
      %dma_wait3A_190 = tpu.memref_slice %arg8[%dma_wait3A_189] : memref<3328xi32, #tpu.memory_space<vmem>> -> memref<208xi32, #tpu.memory_space<vmem>>
      %dma_wait3A_191 = arith.constant 0 : i32
      %dma_wait3A_192 = arith.constant 0 : i32
      %dma_wait3A_193 = tpu.memref_slice %arg2[%dma_wait3A_191, %dma_wait3A_192] : memref<5200000x8xf32, #tpu.memory_space<hbm>> -> memref<5200000x8xf32, #tpu.memory_space<hbm>>
      tpu.wait_indirect_dma semaphore(%arg11 : memref<!tpu.dma_semaphore, #tpu.memory_space<semaphore_mem>>) src(%dma_wait3A_193 : memref<5200000x8xf32, #tpu.memory_space<hbm>>) dst(%dma_wait3A_188 : memref<208x8xf32, #tpu.memory_space<vmem>>)
      %dma_wait3A_194 = arith.constant 1248 : i32
      %dma_wait3A_195 = arith.constant 0 : i32
      %dma_wait3A_196 = tpu.memref_slice %arg9[%dma_wait3A_194, %dma_wait3A_195] : memref<3328x8xf32, #tpu.memory_space<vmem>> -> memref<208x8xf32, #tpu.memory_space<vmem>>
      %dma_wait3A_197 = arith.constant 1248 : i32
      %dma_wait3A_198 = tpu.memref_slice %arg8[%dma_wait3A_197] : memref<3328xi32, #tpu.memory_space<vmem>> -> memref<208xi32, #tpu.memory_space<vmem>>
      %dma_wait3A_199 = arith.constant 0 : i32
      %dma_wait3A_200 = arith.constant 0 : i32
      %dma_wait3A_201 = tpu.memref_slice %arg2[%dma_wait3A_199, %dma_wait3A_200] : memref<5200000x8xf32, #tpu.memory_space<hbm>> -> memref<5200000x8xf32, #tpu.memory_space<hbm>>
      tpu.wait_indirect_dma semaphore(%arg11 : memref<!tpu.dma_semaphore, #tpu.memory_space<semaphore_mem>>) src(%dma_wait3A_201 : memref<5200000x8xf32, #tpu.memory_space<hbm>>) dst(%dma_wait3A_196 : memref<208x8xf32, #tpu.memory_space<vmem>>)
      %dma_wait3A_202 = arith.constant 1456 : i32
      %dma_wait3A_203 = arith.constant 0 : i32
      %dma_wait3A_204 = tpu.memref_slice %arg9[%dma_wait3A_202, %dma_wait3A_203] : memref<3328x8xf32, #tpu.memory_space<vmem>> -> memref<208x8xf32, #tpu.memory_space<vmem>>
      %dma_wait3A_205 = arith.constant 1456 : i32
      %dma_wait3A_206 = tpu.memref_slice %arg8[%dma_wait3A_205] : memref<3328xi32, #tpu.memory_space<vmem>> -> memref<208xi32, #tpu.memory_space<vmem>>
      %dma_wait3A_207 = arith.constant 0 : i32
      %dma_wait3A_208 = arith.constant 0 : i32
      %dma_wait3A_209 = tpu.memref_slice %arg2[%dma_wait3A_207, %dma_wait3A_208] : memref<5200000x8xf32, #tpu.memory_space<hbm>> -> memref<5200000x8xf32, #tpu.memory_space<hbm>>
      tpu.wait_indirect_dma semaphore(%arg11 : memref<!tpu.dma_semaphore, #tpu.memory_space<semaphore_mem>>) src(%dma_wait3A_209 : memref<5200000x8xf32, #tpu.memory_space<hbm>>) dst(%dma_wait3A_204 : memref<208x8xf32, #tpu.memory_space<vmem>>)
      %dma_wait3A_210 = arith.constant 1664 : i32
      %dma_wait3A_211 = arith.constant 0 : i32
      %dma_wait3A_212 = tpu.memref_slice %arg9[%dma_wait3A_210, %dma_wait3A_211] : memref<3328x8xf32, #tpu.memory_space<vmem>> -> memref<208x8xf32, #tpu.memory_space<vmem>>
      %dma_wait3A_213 = arith.constant 1664 : i32
      %dma_wait3A_214 = tpu.memref_slice %arg8[%dma_wait3A_213] : memref<3328xi32, #tpu.memory_space<vmem>> -> memref<208xi32, #tpu.memory_space<vmem>>
      %dma_wait3A_215 = arith.constant 0 : i32
      %dma_wait3A_216 = arith.constant 0 : i32
      %dma_wait3A_217 = tpu.memref_slice %arg2[%dma_wait3A_215, %dma_wait3A_216] : memref<5200000x8xf32, #tpu.memory_space<hbm>> -> memref<5200000x8xf32, #tpu.memory_space<hbm>>
      tpu.wait_indirect_dma semaphore(%arg11 : memref<!tpu.dma_semaphore, #tpu.memory_space<semaphore_mem>>) src(%dma_wait3A_217 : memref<5200000x8xf32, #tpu.memory_space<hbm>>) dst(%dma_wait3A_212 : memref<208x8xf32, #tpu.memory_space<vmem>>)
      %dma_wait3A_218 = arith.constant 1872 : i32
      %dma_wait3A_219 = arith.constant 0 : i32
      %dma_wait3A_220 = tpu.memref_slice %arg9[%dma_wait3A_218, %dma_wait3A_219] : memref<3328x8xf32, #tpu.memory_space<vmem>> -> memref<208x8xf32, #tpu.memory_space<vmem>>
      %dma_wait3A_221 = arith.constant 1872 : i32
      %dma_wait3A_222 = tpu.memref_slice %arg8[%dma_wait3A_221] : memref<3328xi32, #tpu.memory_space<vmem>> -> memref<208xi32, #tpu.memory_space<vmem>>
      %dma_wait3A_223 = arith.constant 0 : i32
      %dma_wait3A_224 = arith.constant 0 : i32
      %dma_wait3A_225 = tpu.memref_slice %arg2[%dma_wait3A_223, %dma_wait3A_224] : memref<5200000x8xf32, #tpu.memory_space<hbm>> -> memref<5200000x8xf32, #tpu.memory_space<hbm>>
      tpu.wait_indirect_dma semaphore(%arg11 : memref<!tpu.dma_semaphore, #tpu.memory_space<semaphore_mem>>) src(%dma_wait3A_225 : memref<5200000x8xf32, #tpu.memory_space<hbm>>) dst(%dma_wait3A_220 : memref<208x8xf32, #tpu.memory_space<vmem>>)
      %dma_wait3A_226 = arith.constant 2080 : i32
      %dma_wait3A_227 = arith.constant 0 : i32
      %dma_wait3A_228 = tpu.memref_slice %arg9[%dma_wait3A_226, %dma_wait3A_227] : memref<3328x8xf32, #tpu.memory_space<vmem>> -> memref<208x8xf32, #tpu.memory_space<vmem>>
      %dma_wait3A_229 = arith.constant 2080 : i32
      %dma_wait3A_230 = tpu.memref_slice %arg8[%dma_wait3A_229] : memref<3328xi32, #tpu.memory_space<vmem>> -> memref<208xi32, #tpu.memory_space<vmem>>
      %dma_wait3A_231 = arith.constant 0 : i32
      %dma_wait3A_232 = arith.constant 0 : i32
      %dma_wait3A_233 = tpu.memref_slice %arg2[%dma_wait3A_231, %dma_wait3A_232] : memref<5200000x8xf32, #tpu.memory_space<hbm>> -> memref<5200000x8xf32, #tpu.memory_space<hbm>>
      tpu.wait_indirect_dma semaphore(%arg11 : memref<!tpu.dma_semaphore, #tpu.memory_space<semaphore_mem>>) src(%dma_wait3A_233 : memref<5200000x8xf32, #tpu.memory_space<hbm>>) dst(%dma_wait3A_228 : memref<208x8xf32, #tpu.memory_space<vmem>>)
      %dma_wait3A_234 = arith.constant 2288 : i32
      %dma_wait3A_235 = arith.constant 0 : i32
      %dma_wait3A_236 = tpu.memref_slice %arg9[%dma_wait3A_234, %dma_wait3A_235] : memref<3328x8xf32, #tpu.memory_space<vmem>> -> memref<208x8xf32, #tpu.memory_space<vmem>>
      %dma_wait3A_237 = arith.constant 2288 : i32
      %dma_wait3A_238 = tpu.memref_slice %arg8[%dma_wait3A_237] : memref<3328xi32, #tpu.memory_space<vmem>> -> memref<208xi32, #tpu.memory_space<vmem>>
      %dma_wait3A_239 = arith.constant 0 : i32
      %dma_wait3A_240 = arith.constant 0 : i32
      %dma_wait3A_241 = tpu.memref_slice %arg2[%dma_wait3A_239, %dma_wait3A_240] : memref<5200000x8xf32, #tpu.memory_space<hbm>> -> memref<5200000x8xf32, #tpu.memory_space<hbm>>
      tpu.wait_indirect_dma semaphore(%arg11 : memref<!tpu.dma_semaphore, #tpu.memory_space<semaphore_mem>>) src(%dma_wait3A_241 : memref<5200000x8xf32, #tpu.memory_space<hbm>>) dst(%dma_wait3A_236 : memref<208x8xf32, #tpu.memory_space<vmem>>)
      %dma_wait3A_242 = arith.constant 2496 : i32
      %dma_wait3A_243 = arith.constant 0 : i32
      %dma_wait3A_244 = tpu.memref_slice %arg9[%dma_wait3A_242, %dma_wait3A_243] : memref<3328x8xf32, #tpu.memory_space<vmem>> -> memref<208x8xf32, #tpu.memory_space<vmem>>
      %dma_wait3A_245 = arith.constant 2496 : i32
      %dma_wait3A_246 = tpu.memref_slice %arg8[%dma_wait3A_245] : memref<3328xi32, #tpu.memory_space<vmem>> -> memref<208xi32, #tpu.memory_space<vmem>>
      %dma_wait3A_247 = arith.constant 0 : i32
      %dma_wait3A_248 = arith.constant 0 : i32
      %dma_wait3A_249 = tpu.memref_slice %arg2[%dma_wait3A_247, %dma_wait3A_248] : memref<5200000x8xf32, #tpu.memory_space<hbm>> -> memref<5200000x8xf32, #tpu.memory_space<hbm>>
      tpu.wait_indirect_dma semaphore(%arg11 : memref<!tpu.dma_semaphore, #tpu.memory_space<semaphore_mem>>) src(%dma_wait3A_249 : memref<5200000x8xf32, #tpu.memory_space<hbm>>) dst(%dma_wait3A_244 : memref<208x8xf32, #tpu.memory_space<vmem>>)
      %dma_wait3A_250 = arith.constant 2704 : i32
      %dma_wait3A_251 = arith.constant 0 : i32
      %dma_wait3A_252 = tpu.memref_slice %arg9[%dma_wait3A_250, %dma_wait3A_251] : memref<3328x8xf32, #tpu.memory_space<vmem>> -> memref<208x8xf32, #tpu.memory_space<vmem>>
      %dma_wait3A_253 = arith.constant 2704 : i32
      %dma_wait3A_254 = tpu.memref_slice %arg8[%dma_wait3A_253] : memref<3328xi32, #tpu.memory_space<vmem>> -> memref<208xi32, #tpu.memory_space<vmem>>
      %dma_wait3A_255 = arith.constant 0 : i32
      %dma_wait3A_256 = arith.constant 0 : i32
      %dma_wait3A_257 = tpu.memref_slice %arg2[%dma_wait3A_255, %dma_wait3A_256] : memref<5200000x8xf32, #tpu.memory_space<hbm>> -> memref<5200000x8xf32, #tpu.memory_space<hbm>>
      tpu.wait_indirect_dma semaphore(%arg11 : memref<!tpu.dma_semaphore, #tpu.memory_space<semaphore_mem>>) src(%dma_wait3A_257 : memref<5200000x8xf32, #tpu.memory_space<hbm>>) dst(%dma_wait3A_252 : memref<208x8xf32, #tpu.memory_space<vmem>>)
      %dma_wait3A_258 = arith.constant 2912 : i32
      %dma_wait3A_259 = arith.constant 0 : i32
      %dma_wait3A_260 = tpu.memref_slice %arg9[%dma_wait3A_258, %dma_wait3A_259] : memref<3328x8xf32, #tpu.memory_space<vmem>> -> memref<208x8xf32, #tpu.memory_space<vmem>>
      %dma_wait3A_261 = arith.constant 2912 : i32
      %dma_wait3A_262 = tpu.memref_slice %arg8[%dma_wait3A_261] : memref<3328xi32, #tpu.memory_space<vmem>> -> memref<208xi32, #tpu.memory_space<vmem>>
      %dma_wait3A_263 = arith.constant 0 : i32
      %dma_wait3A_264 = arith.constant 0 : i32
      %dma_wait3A_265 = tpu.memref_slice %arg2[%dma_wait3A_263, %dma_wait3A_264] : memref<5200000x8xf32, #tpu.memory_space<hbm>> -> memref<5200000x8xf32, #tpu.memory_space<hbm>>
      tpu.wait_indirect_dma semaphore(%arg11 : memref<!tpu.dma_semaphore, #tpu.memory_space<semaphore_mem>>) src(%dma_wait3A_265 : memref<5200000x8xf32, #tpu.memory_space<hbm>>) dst(%dma_wait3A_260 : memref<208x8xf32, #tpu.memory_space<vmem>>)
      %dma_wait3A_266 = arith.constant 3120 : i32
      %dma_wait3A_267 = arith.constant 0 : i32
      %dma_wait3A_268 = tpu.memref_slice %arg9[%dma_wait3A_266, %dma_wait3A_267] : memref<3328x8xf32, #tpu.memory_space<vmem>> -> memref<208x8xf32, #tpu.memory_space<vmem>>
      %dma_wait3A_269 = arith.constant 3120 : i32
      %dma_wait3A_270 = tpu.memref_slice %arg8[%dma_wait3A_269] : memref<3328xi32, #tpu.memory_space<vmem>> -> memref<208xi32, #tpu.memory_space<vmem>>
      %dma_wait3A_271 = arith.constant 0 : i32
      %dma_wait3A_272 = arith.constant 0 : i32
      %dma_wait3A_273 = tpu.memref_slice %arg2[%dma_wait3A_271, %dma_wait3A_272] : memref<5200000x8xf32, #tpu.memory_space<hbm>> -> memref<5200000x8xf32, #tpu.memory_space<hbm>>
      tpu.wait_indirect_dma semaphore(%arg11 : memref<!tpu.dma_semaphore, #tpu.memory_space<semaphore_mem>>) src(%dma_wait3A_273 : memref<5200000x8xf32, #tpu.memory_space<hbm>>) dst(%dma_wait3A_268 : memref<208x8xf32, #tpu.memory_space<vmem>>)
      %scan3A_274 = arith.constant 0 : i32
      %scan3A_275 = arith.constant 0 : i32
      %scan3A_276 = arith.constant 13 : i32
      %scan3A_277 = arith.addi %scan3A_275, %scan3A_276 : i32
      %scan3A_278 = arith.constant 1 : i32
      %scan3A_279 = scf.for %scan3A_282 = %scan3A_275 to %scan3A_277 step %scan3A_278 iter_args(%scan3A_283 = %scan3A_274) -> (i32)  : i32 {
        %mul3A_284 = arith.constant 16 : i32
        %mul3A_285 = arith.muli %scan3A_282, %mul3A_284 : i32
        %iota3A = tpu.iota {dimensions = array<i32: 0>} : vector<16xi32>
        %add3A_286 = arith.addi %mul3A_12, %mul3A_285 : i32
        %get3A = arith.index_cast %add3A_286 : i32 to index
        %get3A_287 = tpu.vector_load %arg7[%get3A] {strides = array<i32>} : memref<3328xi32, #tpu.memory_space<vmem>>, vector<16xi32>,
        %add3A_288 = arith.addi %mul3A_12, %mul3A_285 : i32
        %add3A_289 = arith.constant 0 : i32
        %add3A_290 = arith.addi %add3A_289, %mul3A_285 : i32
        %gather3A = arith.constant 0 : i32
        %gather3A_291 = tpu.memref_slice %arg9[%add3A_290, %gather3A] : memref<3328x8xf32, #tpu.memory_space<vmem>> -> memref<16x8xf32, #tpu.memory_space<vmem>>
        %gather3A_292 = tpu.vector_load_idx %gather3A_291[%iota3A, %get3A_287] : memref<16x8xf32, #tpu.memory_space<vmem>>[vector<16xi32>, vector<16xi32>], vector<16xf32>,
        %broadcast_in_dim3A = arith.constant 0 : i32
        %broadcast_in_dim3A_293 = vector.broadcast %broadcast_in_dim3A : i32 to vector<16xi32>
        %scatter3A = arith.constant 0 : i32
        %scatter3A_294 = tpu.memref_slice %arg10[%add3A_288, %scatter3A] : memref<3328x16xf32, #tpu.memory_space<vmem>> -> memref<16x16xf32, #tpu.memory_space<vmem>>
        tpu.vector_store_idx %scatter3A_294[%iota3A, %broadcast_in_dim3A_293], %gather3A_292 : memref<16x16xf32, #tpu.memory_space<vmem>>[vector<16xi32>, vector<16xi32>], vector<16xf32>,
        %add3A_295 = arith.constant 208 : i32
        %add3A_296 = arith.addi %add3A_295, %mul3A_285 : i32
        %gather3A_297 = arith.constant 0 : i32
        %gather3A_298 = tpu.memref_slice %arg9[%add3A_296, %gather3A_297] : memref<3328x8xf32, #tpu.memory_space<vmem>> -> memref<16x8xf32, #tpu.memory_space<vmem>>
        %gather3A_299 = tpu.vector_load_idx %gather3A_298[%iota3A, %get3A_287] : memref<16x8xf32, #tpu.memory_space<vmem>>[vector<16xi32>, vector<16xi32>], vector<16xf32>,
        %broadcast_in_dim3A_300 = arith.constant 1 : i32
        %broadcast_in_dim3A_301 = vector.broadcast %broadcast_in_dim3A_300 : i32 to vector<16xi32>
        %scatter3A_302 = arith.constant 0 : i32
        %scatter3A_303 = tpu.memref_slice %arg10[%add3A_288, %scatter3A_302] : memref<3328x16xf32, #tpu.memory_space<vmem>> -> memref<16x16xf32, #tpu.memory_space<vmem>>
        tpu.vector_store_idx %scatter3A_303[%iota3A, %broadcast_in_dim3A_301], %gather3A_299 : memref<16x16xf32, #tpu.memory_space<vmem>>[vector<16xi32>, vector<16xi32>], vector<16xf32>,
        %add3A_304 = arith.constant 416 : i32
        %add3A_305 = arith.addi %add3A_304, %mul3A_285 : i32
        %gather3A_306 = arith.constant 0 : i32
        %gather3A_307 = tpu.memref_slice %arg9[%add3A_305, %gather3A_306] : memref<3328x8xf32, #tpu.memory_space<vmem>> -> memref<16x8xf32, #tpu.memory_space<vmem>>
        %gather3A_308 = tpu.vector_load_idx %gather3A_307[%iota3A, %get3A_287] : memref<16x8xf32, #tpu.memory_space<vmem>>[vector<16xi32>, vector<16xi32>], vector<16xf32>,
        %broadcast_in_dim3A_309 = arith.constant 2 : i32
        %broadcast_in_dim3A_310 = vector.broadcast %broadcast_in_dim3A_309 : i32 to vector<16xi32>
        %scatter3A_311 = arith.constant 0 : i32
        %scatter3A_312 = tpu.memref_slice %arg10[%add3A_288, %scatter3A_311] : memref<3328x16xf32, #tpu.memory_space<vmem>> -> memref<16x16xf32, #tpu.memory_space<vmem>>
        tpu.vector_store_idx %scatter3A_312[%iota3A, %broadcast_in_dim3A_310], %gather3A_308 : memref<16x16xf32, #tpu.memory_space<vmem>>[vector<16xi32>, vector<16xi32>], vector<16xf32>,
        %add3A_313 = arith.constant 624 : i32
        %add3A_314 = arith.addi %add3A_313, %mul3A_285 : i32
        %gather3A_315 = arith.constant 0 : i32
        %gather3A_316 = tpu.memref_slice %arg9[%add3A_314, %gather3A_315] : memref<3328x8xf32, #tpu.memory_space<vmem>> -> memref<16x8xf32, #tpu.memory_space<vmem>>
        %gather3A_317 = tpu.vector_load_idx %gather3A_316[%iota3A, %get3A_287] : memref<16x8xf32, #tpu.memory_space<vmem>>[vector<16xi32>, vector<16xi32>], vector<16xf32>,
        %broadcast_in_dim3A_318 = arith.constant 3 : i32
        %broadcast_in_dim3A_319 = vector.broadcast %broadcast_in_dim3A_318 : i32 to vector<16xi32>
        %scatter3A_320 = arith.constant 0 : i32
        %scatter3A_321 = tpu.memref_slice %arg10[%add3A_288, %scatter3A_320] : memref<3328x16xf32, #tpu.memory_space<vmem>> -> memref<16x16xf32, #tpu.memory_space<vmem>>
        tpu.vector_store_idx %scatter3A_321[%iota3A, %broadcast_in_dim3A_319], %gather3A_317 : memref<16x16xf32, #tpu.memory_space<vmem>>[vector<16xi32>, vector<16xi32>], vector<16xf32>,
        %add3A_322 = arith.constant 832 : i32
        %add3A_323 = arith.addi %add3A_322, %mul3A_285 : i32
        %gather3A_324 = arith.constant 0 : i32
        %gather3A_325 = tpu.memref_slice %arg9[%add3A_323, %gather3A_324] : memref<3328x8xf32, #tpu.memory_space<vmem>> -> memref<16x8xf32, #tpu.memory_space<vmem>>
        %gather3A_326 = tpu.vector_load_idx %gather3A_325[%iota3A, %get3A_287] : memref<16x8xf32, #tpu.memory_space<vmem>>[vector<16xi32>, vector<16xi32>], vector<16xf32>,
        %broadcast_in_dim3A_327 = arith.constant 4 : i32
        %broadcast_in_dim3A_328 = vector.broadcast %broadcast_in_dim3A_327 : i32 to vector<16xi32>
        %scatter3A_329 = arith.constant 0 : i32
        %scatter3A_330 = tpu.memref_slice %arg10[%add3A_288, %scatter3A_329] : memref<3328x16xf32, #tpu.memory_space<vmem>> -> memref<16x16xf32, #tpu.memory_space<vmem>>
        tpu.vector_store_idx %scatter3A_330[%iota3A, %broadcast_in_dim3A_328], %gather3A_326 : memref<16x16xf32, #tpu.memory_space<vmem>>[vector<16xi32>, vector<16xi32>], vector<16xf32>,
        %add3A_331 = arith.constant 1040 : i32
        %add3A_332 = arith.addi %add3A_331, %mul3A_285 : i32
        %gather3A_333 = arith.constant 0 : i32
        %gather3A_334 = tpu.memref_slice %arg9[%add3A_332, %gather3A_333] : memref<3328x8xf32, #tpu.memory_space<vmem>> -> memref<16x8xf32, #tpu.memory_space<vmem>>
        %gather3A_335 = tpu.vector_load_idx %gather3A_334[%iota3A, %get3A_287] : memref<16x8xf32, #tpu.memory_space<vmem>>[vector<16xi32>, vector<16xi32>], vector<16xf32>,
        %broadcast_in_dim3A_336 = arith.constant 5 : i32
        %broadcast_in_dim3A_337 = vector.broadcast %broadcast_in_dim3A_336 : i32 to vector<16xi32>
        %scatter3A_338 = arith.constant 0 : i32
        %scatter3A_339 = tpu.memref_slice %arg10[%add3A_288, %scatter3A_338] : memref<3328x16xf32, #tpu.memory_space<vmem>> -> memref<16x16xf32, #tpu.memory_space<vmem>>
        tpu.vector_store_idx %scatter3A_339[%iota3A, %broadcast_in_dim3A_337], %gather3A_335 : memref<16x16xf32, #tpu.memory_space<vmem>>[vector<16xi32>, vector<16xi32>], vector<16xf32>,
        %add3A_340 = arith.constant 1248 : i32
        %add3A_341 = arith.addi %add3A_340, %mul3A_285 : i32
        %gather3A_342 = arith.constant 0 : i32
        %gather3A_343 = tpu.memref_slice %arg9[%add3A_341, %gather3A_342] : memref<3328x8xf32, #tpu.memory_space<vmem>> -> memref<16x8xf32, #tpu.memory_space<vmem>>
        %gather3A_344 = tpu.vector_load_idx %gather3A_343[%iota3A, %get3A_287] : memref<16x8xf32, #tpu.memory_space<vmem>>[vector<16xi32>, vector<16xi32>], vector<16xf32>,
        %broadcast_in_dim3A_345 = arith.constant 6 : i32
        %broadcast_in_dim3A_346 = vector.broadcast %broadcast_in_dim3A_345 : i32 to vector<16xi32>
        %scatter3A_347 = arith.constant 0 : i32
        %scatter3A_348 = tpu.memref_slice %arg10[%add3A_288, %scatter3A_347] : memref<3328x16xf32, #tpu.memory_space<vmem>> -> memref<16x16xf32, #tpu.memory_space<vmem>>
        tpu.vector_store_idx %scatter3A_348[%iota3A, %broadcast_in_dim3A_346], %gather3A_344 : memref<16x16xf32, #tpu.memory_space<vmem>>[vector<16xi32>, vector<16xi32>], vector<16xf32>,
        %add3A_349 = arith.constant 1456 : i32
        %add3A_350 = arith.addi %add3A_349, %mul3A_285 : i32
        %gather3A_351 = arith.constant 0 : i32
        %gather3A_352 = tpu.memref_slice %arg9[%add3A_350, %gather3A_351] : memref<3328x8xf32, #tpu.memory_space<vmem>> -> memref<16x8xf32, #tpu.memory_space<vmem>>
        %gather3A_353 = tpu.vector_load_idx %gather3A_352[%iota3A, %get3A_287] : memref<16x8xf32, #tpu.memory_space<vmem>>[vector<16xi32>, vector<16xi32>], vector<16xf32>,
        %broadcast_in_dim3A_354 = arith.constant 7 : i32
        %broadcast_in_dim3A_355 = vector.broadcast %broadcast_in_dim3A_354 : i32 to vector<16xi32>
        %scatter3A_356 = arith.constant 0 : i32
        %scatter3A_357 = tpu.memref_slice %arg10[%add3A_288, %scatter3A_356] : memref<3328x16xf32, #tpu.memory_space<vmem>> -> memref<16x16xf32, #tpu.memory_space<vmem>>
        tpu.vector_store_idx %scatter3A_357[%iota3A, %broadcast_in_dim3A_355], %gather3A_353 : memref<16x16xf32, #tpu.memory_space<vmem>>[vector<16xi32>, vector<16xi32>], vector<16xf32>,
        %add3A_358 = arith.constant 1664 : i32
        %add3A_359 = arith.addi %add3A_358, %mul3A_285 : i32
        %gather3A_360 = arith.constant 0 : i32
        %gather3A_361 = tpu.memref_slice %arg9[%add3A_359, %gather3A_360] : memref<3328x8xf32, #tpu.memory_space<vmem>> -> memref<16x8xf32, #tpu.memory_space<vmem>>
        %gather3A_362 = tpu.vector_load_idx %gather3A_361[%iota3A, %get3A_287] : memref<16x8xf32, #tpu.memory_space<vmem>>[vector<16xi32>, vector<16xi32>], vector<16xf32>,
        %broadcast_in_dim3A_363 = arith.constant 8 : i32
        %broadcast_in_dim3A_364 = vector.broadcast %broadcast_in_dim3A_363 : i32 to vector<16xi32>
        %scatter3A_365 = arith.constant 0 : i32
        %scatter3A_366 = tpu.memref_slice %arg10[%add3A_288, %scatter3A_365] : memref<3328x16xf32, #tpu.memory_space<vmem>> -> memref<16x16xf32, #tpu.memory_space<vmem>>
        tpu.vector_store_idx %scatter3A_366[%iota3A, %broadcast_in_dim3A_364], %gather3A_362 : memref<16x16xf32, #tpu.memory_space<vmem>>[vector<16xi32>, vector<16xi32>], vector<16xf32>,
        %add3A_367 = arith.constant 1872 : i32
        %add3A_368 = arith.addi %add3A_367, %mul3A_285 : i32
        %gather3A_369 = arith.constant 0 : i32
        %gather3A_370 = tpu.memref_slice %arg9[%add3A_368, %gather3A_369] : memref<3328x8xf32, #tpu.memory_space<vmem>> -> memref<16x8xf32, #tpu.memory_space<vmem>>
        %gather3A_371 = tpu.vector_load_idx %gather3A_370[%iota3A, %get3A_287] : memref<16x8xf32, #tpu.memory_space<vmem>>[vector<16xi32>, vector<16xi32>], vector<16xf32>,
        %broadcast_in_dim3A_372 = arith.constant 9 : i32
        %broadcast_in_dim3A_373 = vector.broadcast %broadcast_in_dim3A_372 : i32 to vector<16xi32>
        %scatter3A_374 = arith.constant 0 : i32
        %scatter3A_375 = tpu.memref_slice %arg10[%add3A_288, %scatter3A_374] : memref<3328x16xf32, #tpu.memory_space<vmem>> -> memref<16x16xf32, #tpu.memory_space<vmem>>
        tpu.vector_store_idx %scatter3A_375[%iota3A, %broadcast_in_dim3A_373], %gather3A_371 : memref<16x16xf32, #tpu.memory_space<vmem>>[vector<16xi32>, vector<16xi32>], vector<16xf32>,
        %add3A_376 = arith.constant 2080 : i32
        %add3A_377 = arith.addi %add3A_376, %mul3A_285 : i32
        %gather3A_378 = arith.constant 0 : i32
        %gather3A_379 = tpu.memref_slice %arg9[%add3A_377, %gather3A_378] : memref<3328x8xf32, #tpu.memory_space<vmem>> -> memref<16x8xf32, #tpu.memory_space<vmem>>
        %gather3A_380 = tpu.vector_load_idx %gather3A_379[%iota3A, %get3A_287] : memref<16x8xf32, #tpu.memory_space<vmem>>[vector<16xi32>, vector<16xi32>], vector<16xf32>,
        %broadcast_in_dim3A_381 = arith.constant 10 : i32
        %broadcast_in_dim3A_382 = vector.broadcast %broadcast_in_dim3A_381 : i32 to vector<16xi32>
        %scatter3A_383 = arith.constant 0 : i32
        %scatter3A_384 = tpu.memref_slice %arg10[%add3A_288, %scatter3A_383] : memref<3328x16xf32, #tpu.memory_space<vmem>> -> memref<16x16xf32, #tpu.memory_space<vmem>>
        tpu.vector_store_idx %scatter3A_384[%iota3A, %broadcast_in_dim3A_382], %gather3A_380 : memref<16x16xf32, #tpu.memory_space<vmem>>[vector<16xi32>, vector<16xi32>], vector<16xf32>,
        %add3A_385 = arith.constant 2288 : i32
        %add3A_386 = arith.addi %add3A_385, %mul3A_285 : i32
        %gather3A_387 = arith.constant 0 : i32
        %gather3A_388 = tpu.memref_slice %arg9[%add3A_386, %gather3A_387] : memref<3328x8xf32, #tpu.memory_space<vmem>> -> memref<16x8xf32, #tpu.memory_space<vmem>>
        %gather3A_389 = tpu.vector_load_idx %gather3A_388[%iota3A, %get3A_287] : memref<16x8xf32, #tpu.memory_space<vmem>>[vector<16xi32>, vector<16xi32>], vector<16xf32>,
        %broadcast_in_dim3A_390 = arith.constant 11 : i32
        %broadcast_in_dim3A_391 = vector.broadcast %broadcast_in_dim3A_390 : i32 to vector<16xi32>
        %scatter3A_392 = arith.constant 0 : i32
        %scatter3A_393 = tpu.memref_slice %arg10[%add3A_288, %scatter3A_392] : memref<3328x16xf32, #tpu.memory_space<vmem>> -> memref<16x16xf32, #tpu.memory_space<vmem>>
        tpu.vector_store_idx %scatter3A_393[%iota3A, %broadcast_in_dim3A_391], %gather3A_389 : memref<16x16xf32, #tpu.memory_space<vmem>>[vector<16xi32>, vector<16xi32>], vector<16xf32>,
        %add3A_394 = arith.constant 2496 : i32
        %add3A_395 = arith.addi %add3A_394, %mul3A_285 : i32
        %gather3A_396 = arith.constant 0 : i32
        %gather3A_397 = tpu.memref_slice %arg9[%add3A_395, %gather3A_396] : memref<3328x8xf32, #tpu.memory_space<vmem>> -> memref<16x8xf32, #tpu.memory_space<vmem>>
        %gather3A_398 = tpu.vector_load_idx %gather3A_397[%iota3A, %get3A_287] : memref<16x8xf32, #tpu.memory_space<vmem>>[vector<16xi32>, vector<16xi32>], vector<16xf32>,
        %broadcast_in_dim3A_399 = arith.constant 12 : i32
        %broadcast_in_dim3A_400 = vector.broadcast %broadcast_in_dim3A_399 : i32 to vector<16xi32>
        %scatter3A_401 = arith.constant 0 : i32
        %scatter3A_402 = tpu.memref_slice %arg10[%add3A_288, %scatter3A_401] : memref<3328x16xf32, #tpu.memory_space<vmem>> -> memref<16x16xf32, #tpu.memory_space<vmem>>
        tpu.vector_store_idx %scatter3A_402[%iota3A, %broadcast_in_dim3A_400], %gather3A_398 : memref<16x16xf32, #tpu.memory_space<vmem>>[vector<16xi32>, vector<16xi32>], vector<16xf32>,
        %add3A_403 = arith.constant 2704 : i32
        %add3A_404 = arith.addi %add3A_403, %mul3A_285 : i32
        %gather3A_405 = arith.constant 0 : i32
        %gather3A_406 = tpu.memref_slice %arg9[%add3A_404, %gather3A_405] : memref<3328x8xf32, #tpu.memory_space<vmem>> -> memref<16x8xf32, #tpu.memory_space<vmem>>
        %gather3A_407 = tpu.vector_load_idx %gather3A_406[%iota3A, %get3A_287] : memref<16x8xf32, #tpu.memory_space<vmem>>[vector<16xi32>, vector<16xi32>], vector<16xf32>,
        %broadcast_in_dim3A_408 = arith.constant 13 : i32
        %broadcast_in_dim3A_409 = vector.broadcast %broadcast_in_dim3A_408 : i32 to vector<16xi32>
        %scatter3A_410 = arith.constant 0 : i32
        %scatter3A_411 = tpu.memref_slice %arg10[%add3A_288, %scatter3A_410] : memref<3328x16xf32, #tpu.memory_space<vmem>> -> memref<16x16xf32, #tpu.memory_space<vmem>>
        tpu.vector_store_idx %scatter3A_411[%iota3A, %broadcast_in_dim3A_409], %gather3A_407 : memref<16x16xf32, #tpu.memory_space<vmem>>[vector<16xi32>, vector<16xi32>], vector<16xf32>,
        %add3A_412 = arith.constant 2912 : i32
        %add3A_413 = arith.addi %add3A_412, %mul3A_285 : i32
        %gather3A_414 = arith.constant 0 : i32
        %gather3A_415 = tpu.memref_slice %arg9[%add3A_413, %gather3A_414] : memref<3328x8xf32, #tpu.memory_space<vmem>> -> memref<16x8xf32, #tpu.memory_space<vmem>>
        %gather3A_416 = tpu.vector_load_idx %gather3A_415[%iota3A, %get3A_287] : memref<16x8xf32, #tpu.memory_space<vmem>>[vector<16xi32>, vector<16xi32>], vector<16xf32>,
        %broadcast_in_dim3A_417 = arith.constant 14 : i32
        %broadcast_in_dim3A_418 = vector.broadcast %broadcast_in_dim3A_417 : i32 to vector<16xi32>
        %scatter3A_419 = arith.constant 0 : i32
        %scatter3A_420 = tpu.memref_slice %arg10[%add3A_288, %scatter3A_419] : memref<3328x16xf32, #tpu.memory_space<vmem>> -> memref<16x16xf32, #tpu.memory_space<vmem>>
        tpu.vector_store_idx %scatter3A_420[%iota3A, %broadcast_in_dim3A_418], %gather3A_416 : memref<16x16xf32, #tpu.memory_space<vmem>>[vector<16xi32>, vector<16xi32>], vector<16xf32>,
        %add3A_421 = arith.constant 3120 : i32
        %add3A_422 = arith.addi %add3A_421, %mul3A_285 : i32
        %gather3A_423 = arith.constant 0 : i32
        %gather3A_424 = tpu.memref_slice %arg9[%add3A_422, %gather3A_423] : memref<3328x8xf32, #tpu.memory_space<vmem>> -> memref<16x8xf32, #tpu.memory_space<vmem>>
        %gather3A_425 = tpu.vector_load_idx %gather3A_424[%iota3A, %get3A_287] : memref<16x8xf32, #tpu.memory_space<vmem>>[vector<16xi32>, vector<16xi32>], vector<16xf32>,
        %broadcast_in_dim3A_426 = arith.constant 15 : i32
        %broadcast_in_dim3A_427 = vector.broadcast %broadcast_in_dim3A_426 : i32 to vector<16xi32>
        %scatter3A_428 = arith.constant 0 : i32
        %scatter3A_429 = tpu.memref_slice %arg10[%add3A_288, %scatter3A_428] : memref<3328x16xf32, #tpu.memory_space<vmem>> -> memref<16x16xf32, #tpu.memory_space<vmem>>
        tpu.vector_store_idx %scatter3A_429[%iota3A, %broadcast_in_dim3A_427], %gather3A_425 : memref<16x16xf32, #tpu.memory_space<vmem>>[vector<16xi32>, vector<16xi32>], vector<16xf32>,
        %scan3A_430 = arith.constant 0 : i32
        scf.yield %scan3A_430 : i32
      }
      %scan3A_280 = arith.constant 13 : i32
      %scan3A_281 = arith.constant 0 : i32
      scf.yield %scan3A_281 : i32
    }
    %scan3A_8 = arith.constant 16 : i32
    "tpu.region"() ({
      %run_scoped3A = tpu.sem_alloc : memref<!tpu.dma_semaphore, #tpu.memory_space<semaphore_mem>>
      %dma_start3A = arith.constant 0 : i32
      %dma_start3A_9 = tpu.memref_slice %arg5[%mul3A_2, %dma_start3A] : memref<106496x16xf32, #tpu.memory_space<hbm>> -> memref<3328x16xf32, #tpu.memory_space<hbm>>
      %dma_start3A_10 = arith.constant 0 : i32
      %dma_start3A_11 = tpu.memref_slice %arg5[%mul3A_2, %dma_start3A_10] : memref<106496x16xf32, #tpu.memory_space<hbm>> -> memref<3328x16xf32, #tpu.memory_space<hbm>>
      tpu.enqueue_dma source(%arg10 : memref<3328x16xf32, #tpu.memory_space<vmem>>) target(%dma_start3A_11 : memref<3328x16xf32, #tpu.memory_space<hbm>>) target_semaphore(%run_scoped3A : memref<!tpu.dma_semaphore, #tpu.memory_space<semaphore_mem>>)
      %dma_wait3A = arith.constant 0 : i32
      %dma_wait3A_12 = tpu.memref_slice %arg5[%mul3A_2, %dma_wait3A] : memref<106496x16xf32, #tpu.memory_space<hbm>> -> memref<3328x16xf32, #tpu.memory_space<hbm>>
      %dma_wait3A_13 = arith.constant 0 : i32
      %dma_wait3A_14 = tpu.memref_slice %arg5[%mul3A_2, %dma_wait3A_13] : memref<106496x16xf32, #tpu.memory_space<hbm>> -> memref<3328x16xf32, #tpu.memory_space<hbm>>
      tpu.wait_dma2 semaphore(%run_scoped3A : memref<!tpu.dma_semaphore, #tpu.memory_space<semaphore_mem>>) src(%arg10 : memref<3328x16xf32, #tpu.memory_space<vmem>>) dst(%dma_wait3A_14 : memref<3328x16xf32, #tpu.memory_space<hbm>>)
      tpu.yield
    }) : () -> ()
    return
  }
}

module attributes {stable_mosaic.version = 14 : i64} {
  func.func @_tc_body(%arg0: memref<4096x416xf32, #tpu.memory_space<vmem>>, %arg1: memref<1x104xf32, #tpu.memory_space<vmem>>, %arg2: memref<104x416xf32, #tpu.memory_space<vmem>>, %arg3: memref<4096x208xf32, #tpu.memory_space<vmem>>, %arg4: memref<4096x208xi32, #tpu.memory_space<vmem>>, %arg5: memref<416x512xf32, #tpu.memory_space<vmem>>, %arg6: memref<1x512xf32, #tpu.memory_space<vmem>>, %arg7: memref<512x256xf32, #tpu.memory_space<vmem>>, %arg8: memref<1x256xf32, #tpu.memory_space<vmem>>, %arg9: memref<256x1xf32, #tpu.memory_space<vmem>>, %arg10: memref<1x1xf32, #tpu.memory_space<vmem>>, %arg11: memref<4096x1xf32, #tpu.memory_space<vmem>>) attributes {dimension_semantics = [], scalar_prefetch = 0 : i64, scratch_operands = 0 : i64, tpu.core_type = #tpu.core_type<tc>} {
    %get3A = arith.constant 0 : index
    %get3A_0 = arith.constant 0 : index
    %get3A_1 = vector.load %arg0[%get3A, %get3A_0] : memref<4096x416xf32, #tpu.memory_space<vmem>>, vector<4096x416xf32>
    %reduce_sum3A = arith.constant dense<0.000000e+00> : vector<416xf32>
    %reduce_sum3A_2 = vector.multi_reduction <add>, %get3A_1, %reduce_sum3A [0] : vector<4096x416xf32> to vector<416xf32>
    %broadcast_in_dim3A = vector.shape_cast %reduce_sum3A_2 : vector<416xf32> to vector<1x416xf32>
    %div3A = arith.constant 4.096000e+03 : f32
    %div3A_3 = vector.broadcast %div3A : f32 to vector<1x416xf32>
    %div3A_4 = arith.divf %broadcast_in_dim3A, %div3A_3 : vector<1x416xf32>
    %sub3A = vector.broadcast %div3A_4 : vector<1x416xf32> to vector<4096x416xf32>
    %sub3A_5 = arith.subf %get3A_1, %sub3A : vector<4096x416xf32>
    %mul3A = arith.mulf %sub3A_5, %sub3A_5 : vector<4096x416xf32>
    %reduce_sum3A_6 = arith.constant dense<0.000000e+00> : vector<416xf32>
    %reduce_sum3A_7 = vector.multi_reduction <add>, %mul3A, %reduce_sum3A_6 [0] : vector<4096x416xf32> to vector<416xf32>
    %broadcast_in_dim3A_8 = vector.shape_cast %reduce_sum3A_7 : vector<416xf32> to vector<1x416xf32>
    %div3A_9 = arith.constant 4.096000e+03 : f32
    %div3A_10 = vector.broadcast %div3A_9 : f32 to vector<1x416xf32>
    %div3A_11 = arith.divf %broadcast_in_dim3A_8, %div3A_10 : vector<1x416xf32>
    %get3A_12 = arith.constant 0 : index
    %get3A_13 = arith.constant 0 : index
    %get3A_14 = vector.load %arg1[%get3A_12, %get3A_13] : memref<1x104xf32, #tpu.memory_space<vmem>>, vector<1x104xf32>
    %get3A_15 = arith.constant 0 : index
    %get3A_16 = arith.constant 0 : index
    %get3A_17 = vector.load %arg2[%get3A_15, %get3A_16] : memref<104x416xf32, #tpu.memory_space<vmem>>, vector<104x416xf32>
    %dot_general3A = arith.constant dense<0.000000e+00> : vector<1x416xf32>
    %dot_general3A_18 = tpu.matmul %get3A_14, %get3A_17, %dot_general3A {dimension_numbers = #tpu.dot_dimension_numbers<[1], [0], [0], [1], [0, 0, 1, 1], [], []>, transpose_lhs_hint = false} : vector<1x104xf32>, vector<104x416xf32>, vector<1x416xf32> -> vector<1x416xf32>
    %add3A = arith.constant 1.000000e-03 : f32
    %add3A_19 = vector.broadcast %add3A : f32 to vector<1x416xf32>
    %add3A_20 = arith.addf %div3A_11, %add3A_19 : vector<1x416xf32>
    %rsqrt3A = math.rsqrt %add3A_20 : vector<1x416xf32>
    %mul3A_21 = arith.mulf %dot_general3A_18, %rsqrt3A : vector<1x416xf32>
    %mul3A_22 = vector.broadcast %mul3A_21 : vector<1x416xf32> to vector<4096x416xf32>
    %mul3A_23 = arith.mulf %sub3A_5, %mul3A_22 : vector<4096x416xf32>
    %get3A_24 = arith.constant 0 : index
    %get3A_25 = arith.constant 0 : index
    %get3A_26 = vector.load %arg5[%get3A_24, %get3A_25] : memref<416x512xf32, #tpu.memory_space<vmem>>, vector<416x512xf32>
    %dot_general3A_27 = arith.constant dense<0.000000e+00> : vector<4096x512xf32>
    %dot_general3A_28 = tpu.matmul %mul3A_23, %get3A_26, %dot_general3A_27 {dimension_numbers = #tpu.dot_dimension_numbers<[1], [0], [0], [1], [0, 0, 1, 1], [], []>, transpose_lhs_hint = false} : vector<4096x416xf32>, vector<416x512xf32>, vector<4096x512xf32> -> vector<4096x512xf32>
    %get3A_29 = arith.constant 0 : index
    %get3A_30 = arith.constant 0 : index
    %get3A_31 = vector.load %arg6[%get3A_29, %get3A_30] : memref<1x512xf32, #tpu.memory_space<vmem>>, vector<1x512xf32>
    %add3A_32 = vector.broadcast %get3A_31 : vector<1x512xf32> to vector<4096x512xf32>
    %add3A_33 = arith.addf %dot_general3A_28, %add3A_32 : vector<4096x512xf32>
    %max3A = arith.constant 0.000000e+00 : f32
    %max3A_34 = vector.broadcast %max3A : f32 to vector<4096x512xf32>
    %max3A_35 = arith.maximumf %add3A_33, %max3A_34 : vector<4096x512xf32>
    %get3A_36 = arith.constant 0 : index
    %get3A_37 = arith.constant 0 : index
    %get3A_38 = vector.load %arg7[%get3A_36, %get3A_37] : memref<512x256xf32, #tpu.memory_space<vmem>>, vector<512x256xf32>
    %dot_general3A_39 = arith.constant dense<0.000000e+00> : vector<4096x256xf32>
    %dot_general3A_40 = tpu.matmul %max3A_35, %get3A_38, %dot_general3A_39 {dimension_numbers = #tpu.dot_dimension_numbers<[1], [0], [0], [1], [0, 0, 1, 1], [], []>, transpose_lhs_hint = false} : vector<4096x512xf32>, vector<512x256xf32>, vector<4096x256xf32> -> vector<4096x256xf32>
    %get3A_41 = arith.constant 0 : index
    %get3A_42 = arith.constant 0 : index
    %get3A_43 = vector.load %arg8[%get3A_41, %get3A_42] : memref<1x256xf32, #tpu.memory_space<vmem>>, vector<1x256xf32>
    %add3A_44 = vector.broadcast %get3A_43 : vector<1x256xf32> to vector<4096x256xf32>
    %add3A_45 = arith.addf %dot_general3A_40, %add3A_44 : vector<4096x256xf32>
    %max3A_46 = arith.constant 0.000000e+00 : f32
    %max3A_47 = vector.broadcast %max3A_46 : f32 to vector<4096x256xf32>
    %max3A_48 = arith.maximumf %add3A_45, %max3A_47 : vector<4096x256xf32>
    %get3A_49 = arith.constant 0 : index
    %get3A_50 = arith.constant 0 : index
    %get3A_51 = vector.load %arg9[%get3A_49, %get3A_50] : memref<256x1xf32, #tpu.memory_space<vmem>>, vector<256x1xf32>
    %dot_general3A_52 = arith.constant dense<0.000000e+00> : vector<4096x1xf32>
    %dot_general3A_53 = tpu.matmul %max3A_48, %get3A_51, %dot_general3A_52 {dimension_numbers = #tpu.dot_dimension_numbers<[1], [0], [0], [1], [0, 0, 1, 1], [], []>, transpose_lhs_hint = false} : vector<4096x256xf32>, vector<256x1xf32>, vector<4096x1xf32> -> vector<4096x1xf32>
    %get3A_54 = arith.constant 0 : index
    %get3A_55 = arith.constant 0 : index
    %get3A_56 = vector.load %arg10[%get3A_54, %get3A_55] : memref<1x1xf32, #tpu.memory_space<vmem>>, vector<1x1xf32>
    %add3A_57 = vector.broadcast %get3A_56 : vector<1x1xf32> to vector<4096x1xf32>
    %add3A_58 = arith.addf %dot_general3A_53, %add3A_57 : vector<4096x1xf32>
    %get3A_59 = arith.constant 0 : index
    %get3A_60 = arith.constant 0 : index
    %get3A_61 = vector.load %arg3[%get3A_59, %get3A_60] : memref<4096x208xf32, #tpu.memory_space<vmem>>, vector<4096x208xf32>
    %get3A_62 = arith.constant 0 : index
    %get3A_63 = arith.constant 0 : index
    %get3A_64 = vector.load %arg4[%get3A_62, %get3A_63] : memref<4096x208xi32, #tpu.memory_space<vmem>>, vector<4096x208xi32>
    %iota3A = tpu.iota {dimensions = array<i32: 1>} : vector<4096x208xi32>
    %jit3A = arith.constant 8 : i32
    %eq3A = arith.constant 0 : i32
    %eq3A_65 = arith.cmpi eq, %jit3A, %eq3A : i32
    %jit3A_66 = arith.constant 1 : i32
    %select_n3A = arith.select %eq3A_65, %jit3A_66, %jit3A : i32
    %rem3A = vector.broadcast %select_n3A : i32 to vector<4096x208xi32>
    %rem3A_67 = arith.remsi %iota3A, %rem3A : vector<4096x208xi32>
    %ne3A = arith.constant 0 : i32
    %ne3A_68 = vector.broadcast %ne3A : i32 to vector<4096x208xi32>
    %ne3A_69 = arith.cmpi ne, %rem3A_67, %ne3A_68 : vector<4096x208xi32>
    %lt3A = arith.constant 0 : i32
    %lt3A_70 = vector.broadcast %lt3A : i32 to vector<4096x208xi32>
    %lt3A_71 = arith.cmpi slt, %rem3A_67, %lt3A_70 : vector<4096x208xi32>
    %lt3A_72 = arith.constant 0 : i32
    %lt3A_73 = arith.cmpi slt, %select_n3A, %lt3A_72 : i32
    %ne3A_74 = vector.broadcast %lt3A_73 : i1 to vector<4096x208xi1>
    %ne3A_75 = vector.broadcast %ne3A_74 : vector<4096x208xi1> to vector<4096x208xi1>
    %ne3A_76 = arith.xori %lt3A_71, %ne3A_75 : vector<4096x208xi1>
    %and3A = arith.andi %ne3A_76, %ne3A_69 : vector<4096x208xi1>
    %add3A_77 = vector.broadcast %select_n3A : i32 to vector<4096x208xi32>
    %add3A_78 = arith.addi %rem3A_67, %add3A_77 : vector<4096x208xi32>
    %select_n3A_79 = arith.select %and3A, %add3A_78, %rem3A_67 : vector<4096x208xi1>, vector<4096x208xi32>
    %eq3A_80 = arith.cmpi eq, %get3A_64, %select_n3A_79 : vector<4096x208xi32>
    %jit3A_81 = arith.constant 0.000000e+00 : f32
    %broadcast_in_dim3A_82 = vector.broadcast %jit3A_81 : f32 to vector<4096x208xf32>
    %select_n3A_83 = arith.select %eq3A_80, %get3A_61, %broadcast_in_dim3A_82 : vector<4096x208xi1>, vector<4096x208xf32>
    %reduce_sum3A_84 = arith.constant dense<0.000000e+00> : vector<4096xf32>
    %reduce_sum3A_85 = vector.multi_reduction <add>, %select_n3A_83, %reduce_sum3A_84 [1] : vector<4096x208xf32> to vector<4096xf32>
    %broadcast_in_dim3A_86 = vector.shape_cast %reduce_sum3A_85 : vector<4096xf32> to vector<4096x1xf32>
    %add3A_87 = arith.addf %add3A_58, %broadcast_in_dim3A_86 : vector<4096x1xf32>
    %logistic3A = arith.negf %add3A_87 : vector<4096x1xf32>
    %logistic3A_88 = math.exp %logistic3A : vector<4096x1xf32>
    %logistic3A_89 = arith.constant 1.000000e+00 : f32
    %logistic3A_90 = vector.broadcast %logistic3A_89 : f32 to vector<4096x1xf32>
    %logistic3A_91 = arith.addf %logistic3A_90, %logistic3A_88 : vector<4096x1xf32>
    %logistic3A_92 = arith.divf %logistic3A_90, %logistic3A_91 : vector<4096x1xf32>
    %swap3A = arith.constant 0 : index
    %swap3A_93 = arith.constant 0 : index
    %swap3A_94 = vector.load %arg11[%swap3A, %swap3A_93] : memref<4096x1xf32, #tpu.memory_space<vmem>>, vector<4096x1xf32>
    tpu.vector_store %arg11[%swap3A, %swap3A_93], %logistic3A_92 {strides = array<i32>} : memref<4096x1xf32, #tpu.memory_space<vmem>>, vector<4096x1xf32>,
    return
  }
}

</mosaic_0001>

<sc_bundles>
// kernel: kernel.5.cloned.1.call-start
scs
__scs_entry_jumppad:
0x0: {  	(pc) =	sbr.rel $0x88, $3  }
0x1: {  	(tag) =	ssettag $0x0;
	lr =	simm.s32 $0x1  }
0x2: {  	[smem:$0x3F97] =	sst lr;
	_ =	strace $0xD0000000  }
0x3: {  	_ = 	snop  }
0x4: {  	_ = 	snop  }
0x5: {  	_ = 	snop  }
0x6: {  	_ = 	snop  }
0x7: {  	_ = 	snop  }
__scs_overlays_trampoline_lowered:
0x8: {  	[smem:$0x3FA6] =	sst s0  }
0x9: {  	[smem:$0x3FA7] =	sst s1  }
0xa: {  	[smem:$0x3FA8] =	sst s2  }
0xb: {  	[smem:$0x3FA9] =	sst s3  }
0xc: {  	[smem:$0x3FAA] =	sst s4  }
0xd: {  	[smem:$0x3FAB] =	sst s5  }
0xe: {  	[smem:$0x3FAC] =	sst s6  }
0xf: {  	[smem:$0x3FAD] =	sst s7  }
0x10: {  	[smem:$0x3FAE] =	sst s8  }
0x11: {  	[smem:$0x3FAF] =	sst s9;
	s0 =	simm.s32 @!p0 $0x0  }
0x12: {  	s1 =	sld [smem:$0x3F95];
	s0 =	simm.s32 @p0 $0x1  }
0x13: {  	[smem:$0x3FB0] =	sst s0;
	s0 =	simm.s32 @!p1 $0x0  }
0x14: {  	s2 =	sld [smem:$0x3F94];
	s0 =	simm.s32 @p1 $0x1  }
0x15: {  	[smem:$0x3FB1] =	sst s0;
	s0 =	simm.s32 @!p2 $0x0  }
0x16: {  	s3 =	sld [smem:$0x3FDB];
	s0 =	simm.s32 @p2 $0x1  }
0x17: {  	s4 =	simm.s32 $0x1BF5;
	[smem:$0x3FB3] =	sst s0  }
0x18: {  	s0 =	sld [smem:$0x3F96];
	_ =	swait.ge [sflag:s4], $0x0  }
0x19: {  	s7 =	sld [smem:$0x3F97]  }
0x1a: {  	s8 =	sadd.s32 $0xFFFFE003, lr  }
0x1b: {  	s9 =	sadd.s32 $0xFFFFFEF7, lr;
	s5 =	simm.s32 $0xFFFFFFFF;
	p2 =	slt.u32 s8, $0xFFFFF086  }
0x1c: {  	p1 =	slt.u32 s9, $0xF7A;
	s5 =	simm.s32 @!p2 $0x0  }
0x1d: {  	s5 =	simm.s32 @p1 $0x1;
	p0 =	seq.s32 s7, s2  }
0x1e: {  	s7 =	smul.u32 @!p0 $0xF7A, s2;
	p2 =	seq.s32 @!p0 s5, $0x0  }
0x1f: {  	s9 =	smul.u32 $0xF7A, s1;
	s8 =	simm.s32 @!p0 $0x1BF5;
	p2 =	por !p2, p0  }
0x20: {  	[sflag:s8] =	ssyncset.s32 @!p0 $0xFFFFF086;
	s6 =	sadd.s32 @!p0 s3, s7;
	s7 =	simm.s32 @!p0 $0x108  }
0x21: {  	s3 =	sadd.s32 s3, s9;
	s6 =	sadd.s32 @!p0 $0x88, s6;
	s7 =	simm.s32 @p2 $0x1082  }
0x22: {  	[simem:s7], [sflag:s8] =	dma.local @!p0 [hbm:s6], $0xF7A  }
0x23: {  	s9 =	sor.u32 $0xD0000000, s2;
	s6 =	simm.s32 $0x108;
	_ =	swait.ge @!p0 [sflag:s8], $0x0  }
0x24: {  	s3 =	sadd.s32 $0x88, s3;
	s6 =	simm.s32 @!p1 $0x1082;
	[sflag:s4] =	ssyncset.s32 $0xFFFFF086  }
0x25: {  	[simem:s6], [sflag:s4] =	dma.local [hbm:s3], $0xF7A  }
0x26: {  	[smem:$0x3F97] =	sst s1;
	(tag) =	ssettag s2;
	_ =	strace s9  }
0x27: {  	s1 =	sld [smem:$0x3FA7]  }
0x28: {  	s2 =	sld [smem:$0x3FA8]  }
0x29: {  	s4 =	sld [smem:$0x3FAA]  }
0x2a: {  	p0 =	seq.s32 s5, $0x0;
	s5 =	sld [smem:$0x3FAB]  }
0x2b: {  	s6 =	sld [smem:$0x3FAC]  }
0x2c: {  	s7 =	sld [smem:$0x3FAD]  }
0x2d: {  	s3 =	simm.s32 $0x108;
	s8 =	sld [smem:$0x3FAE]  }
0x2e: {  	s3 =	simm.s32 @!p0 $0x1082;
	s9 =	sld [smem:$0x3FAF]  }
0x2f: {  	lr =	sadd.s32 s0, s3;
	s0 =	sld [smem:$0x3FA6]  }
0x30: {  	s3 =	sld [smem:$0x3FA9]  }
0x31: {  	[smem:$0x3FB2] =	sst s10  }
0x32: {  	s10 =	sld [smem:$0x3FB0];
	_ =	sdelay $0x3  }
0x33: {  	p0 =	seq.s32 s10, $0x1;
	s10 =	sld [smem:$0x3FB2];
	_ =	sdelay $0x3  }
0x34: {  	[smem:$0x3FB2] =	sst s10  }
0x35: {  	s10 =	sld [smem:$0x3FB1];
	_ =	sdelay $0x3  }
0x36: {  	p1 =	seq.s32 s10, $0x1;
	s10 =	sld [smem:$0x3FB2];
	_ =	sdelay $0x3  }
0x37: {  	[smem:$0x3FB2] =	sst s10  }
0x38: {  	s10 =	sld [smem:$0x3FB3]  }
0x39: {  	_ = 	snop;
	(pc) =	sbr.ind lr, $3  }
0x3a: {  	_ = 	snop  }
0x3b: {  	_ = 	snop  }
0x3c: {  	p2 =	seq.s32 s10, $0x1;
	s10 =	sld [smem:$0x3FB2]  }
0x3d: {  	_ =	shalt  }
0x3e: {  	_ =	shalt  }
0x3f: {  	_ =	shalt  }
0x40: {  	_ =	shalt  }
0x41: {  	_ =	shalt  }
0x42: {  	_ =	shalt  }
0x43: {  	_ =	shalt  }
0x44: {  	_ =	shalt  }
0x45: {  	_ =	shalt  }
0x46: {  	_ =	shalt  }
0x47: {  	_ =	shalt  }
0x48: {  	_ =	shalt  }
0x49: {  	_ =	shalt  }
0x4a: {  	_ =	shalt  }
0x4b: {  	_ =	shalt  }
0x4c: {  	_ =	shalt  }
0x4d: {  	_ =	shalt  }
0x4e: {  	_ =	shalt  }
0x4f: {  	_ =	shalt  }
0x50: {  	_ =	shalt  }
0x51: {  	_ =	shalt  }
0x52: {  	_ =	shalt  }
0x53: {  	_ =	shalt  }
0x54: {  	_ =	shalt  }
0x55: {  	_ =	shalt  }
0x56: {  	_ =	shalt  }
0x57: {  	_ =	shalt  }
0x58: {  	_ =	shalt  }
0x59: {  	_ =	shalt  }
0x5a: {  	_ =	shalt  }
0x5b: {  	_ =	shalt  }
0x5c: {  	_ =	shalt  }
0x5d: {  	_ =	shalt  }
0x5e: {  	_ =	shalt  }
0x5f: {  	_ =	shalt  }
0x60: {  	_ =	shalt  }
0x61: {  	_ =	shalt  }
0x62: {  	_ =	shalt  }
0x63: {  	_ =	shalt  }
0x64: {  	_ =	shalt  }
0x65: {  	_ =	shalt  }
0x66: {  	_ =	shalt  }
0x67: {  	_ =	shalt  }
0x68: {  	_ =	shalt  }
0x69: {  	_ =	shalt  }
0x6a: {  	_ =	shalt  }
0x6b: {  	_ =	shalt  }
0x6c: {  	_ =	shalt  }
0x6d: {  	_ =	shalt  }
0x6e: {  	_ =	shalt  }
0x6f: {  	_ =	shalt  }
0x70: {  	_ =	shalt  }
0x71: {  	_ =	shalt  }
0x72: {  	_ =	shalt  }
0x73: {  	_ =	shalt  }
0x74: {  	_ =	shalt  }
0x75: {  	_ =	shalt  }
0x76: {  	_ =	shalt  }
0x77: {  	_ =	shalt  }
0x78: {  	_ =	shalt  }
0x79: {  	_ =	shalt  }
0x7a: {  	_ =	shalt  }
0x7b: {  	_ =	shalt  }
0x7c: {  	_ =	shalt  }
0x7d: {  	_ =	shalt  }
0x7e: {  	_ =	shalt  }
0x7f: {  	_ =	shalt  }
0x80: {  	_ =	shalt  }
0x81: {  	_ =	shalt  }
0x82: {  	_ =	shalt  }
0x83: {  	_ =	shalt  }
0x84: {  	_ =	shalt  }
0x85: {  	_ =	shalt  }
0x86: {  	_ =	shalt  }
0x87: {  	_ =	shalt  }
.Lfunc_end0:
.L_simem_size_0:
called_computation_lowered:
.L_overlay_start_0:
0x88: {  	s2 =	sld [smem:$0x3FD9]  }
0x89: {  	s3 =	sld [smem:$0x3FFE];
	_ =	sdelay $0x1  }
0x8a: {  	s1 =	srdreg.scid  }
0x8b: {  	s0 =	sand.u32 $0x1, s1  }
0x8c: {  	s16 =	sshll.u32 s0, $0xA;
	s2 =	sadd.s32 s3, s2  }
0x8d: {  	s2 =	sadd.s32 s2, s16  }
0x8e: {  	[smem:$0x3FBE] =	sst s2  }
0x8f: {  	_ = 	snop  }
0x90: {  	(tm) =	ssettm $0x1  }
0x91: {  	s17 =	sld [smem:$0x3FFB];
	_ =	sdelay $0x3  }
0x92: {  	_ =	strace s17  }
0x93: {  	s2 =	sld [smem:$0x3FFC];
	_ =	sdelay $0x3  }
0x94: {  	_ =	strace s2  }
0x95: {  	s2 =	sld [smem:$0x3FFD];
	_ =	sdelay $0x3  }
0x96: {  	_ =	strace s2  }
0x97: {  	_ =	strace $0x8FFFFFFF  }
0x98: {  	s18 =	sld [smem:$0x3FDB];
	_ =	sdelay $0x1  }
0x99: {  	s19 =	simm.s32 $_scs_section_size  }
0x9a: {  	s4 =	simm.s32 $_size__tile_overlayer_lowered;
	s5 =	simm.s32 $_tile_overlayer_lowered  }
0x9b: {  	s22 =	simm.s32 $0x1BFF;
	s21 =	sshll.u32 s5, $0x1;
	s2 =	sadd.s32 s19, s18  }
0x9c: {  	s6 =	simm.s32 $0x0;
	s20 =	sshll.u32 s4, $0x1;
	s4 =	sadd.s32 s21, s2  }
0x9d: {  	[timem:s6], [sflag:s22] =	dma.local [hbm:s4], s20  }
0x9e: {  	_ =	swait.ge [sflag:s22], s20  }
0x9f: {  	s3 =	ssub.s32 $0x0, s20;
	[sflag:s22] =	ssyncset.done $0x0  }
0xa0: {  	[sflag:s22] =	ssyncadd.s32 s3;
	_ =	sdelay $0x1  }
0xa1: {  	s23 =	simm.s32 $0x1B8B  }
0xa2: {  	_ =	swait.ge [sflag:s23], $0x1  }
0xa3: {  	[sflag:s23] =	ssyncset.done $0x0  }
0xa4: {  	s25 =	simm.s32 $0x1B8E;
	s24 =	sld [smem:$0x3FFE];
	[sflag:s23] =	ssyncadd.s32 $0xFFFFFFFF  }
0xa5: {  	s26 =	simm.s32 $execute0_lowered;
	[smem:$0x3FD2] =	sst s25  }
0xa6: {  	s4 =	sshll.u32 s26, $0x1;
	_ =	strace $0x80000046;
	[dreg:$0x1] =	wrdreg $0xFFFFFFFF  }
0xa7: {  	s28 =	simm.s32 $_size_execute0_lowered;
	s2 =	sadd.s32 s2, s4;
	[dreg:$0x0] =	wrdreg $0x0  }
0xa8: {  	s4 =	sshll.u32 s28, $0x1;
	[dreg:$0x2] =	wrdreg s2  }
0xa9: {  	[dreg:$0x3] =	wrdreg s4  }
0xaa: {  	[dreg:$0x4] =	wrdreg $0xC0  }
0xab: {  	_ =	task [dreg:s6], $0x5FFFF  }
0xac: {  	[dreg:$0x1] =	wrdreg $0xFFFFFFFF  }
0xad: {  	[dreg:$0x0] =	wrdreg $0x60  }
0xae: {  	[dreg:$0x2] =	wrdreg s24  }
0xaf: {  	[dreg:$0x3] =	wrdreg $0x9  }
0xb0: {  	_ =	task.clear_ibuf [dreg:s6], $0x4FFFF;
	_ =	strace $0x90000046  }
0xb1: {  	s29 =	simm.s32 $0x9;
	_ =	strace $0x80000048  }
0xb2: {  	_ =	swait.ge [sflag:s29], $0x1  }
0xb3: {  	[sflag:s29] =	ssyncadd.s32 $0xFFFFFFFF  }
0xb4: {  	_ =	strace $0x90000048  }
0xb5: {  	_ =	sfence  }
0xb6: {  	s30 =	sld [smem:$0x0];
	_ =	sdelay $0x2  }
0xb7: {  	s31 =	sshll.u32 s1, $0xD;
	s1 =	sshrl.u32 s1, $0x2  }
0xb8: {  	s3 =	sand.u32 $0x4000, s31;
	s1 =	sadd.s32 s1, s30  }
0xb9: {  	s0 =	sor.u32 s3, s0;
	s1 =	sshll.u32 s1, $0x11  }
0xba: {  	s0 =	sor.u32 s1, s0  }
0xbb: {  	s0 =	sadd.s32 $0x8F2B, s0  }
0xbc: {  	[sflag:s0] =	ssyncadd.remote.s32 $0x1  }
0xbd: {  	_ =	sfence.sel $0xFFFF  }
0xbe: {  	[dreg:$0x0] =	wrdreg $0xFFFFFFFF;
	(pc) =	sbr.abs _section_cstart, $3  }
0xbf: {  	[dreg:$0x1] =	wrdreg $0xFFFFFFFF  }
0xc0: {  	_ =	task.clear_ibuf [dreg:s6], $0x2FFFF;
	_ =	strace $0x9FFFFFFF  }
0xc1: {  	(tm) =	ssettm $0x7FFFFFFF  }
tec
execute0_lowered:
.L_overlay_start_1:
0x0: {  	(tag) =	ssettag $0x1  }
0x1: {  	s0 =	srdreg.scid  }
0x2: {  	s1 =	stileid.u32;
	s2 =	rddreg [dreg:$0x0];
	s14 =	simm.s32 $0x0  }
0x3: {  	s16 =	simm.s32 $0x2;
	s9 =	simm.s32 $0xD0;
	s22 =	simm.s32 $0x1EE0  }
0x4: {  	s23 =	simm.s32 $0x4E00;
	s28 =	simm.s32 $0x5B00;
	s29 =	simm.s32 $0x2150  }
0x5: {  	s30 =	simm.s32 $0x6180;
	s31 =	simm.s32 $0x2220;
	s5 =	simm.s32 $0x23C0  }
0x6: {  	s6 =	simm.s32 $0x7500;
	s7 =	simm.s32 $0x2490;
	s8 =	simm.s32 $0x2560  }
0x7: {  	s10 =	simm.s32 $0x8200;
	s11 =	simm.s32 $0x2630;
	s12 =	simm.s32 $0x8880  }
0x8: {  	s13 =	simm.s32 $0x1;
	s0 =	sand.u32 $0x1, s0;
	s1 =	sshll.u32 s1, $0x1  }
0x9: {  	s17 =	simm.s32 $0x0;
	s1 =	sor.u32 s0, s1;
	s0 =	ssub.s32 $0x2, s0  }
0xa: {  	v1 =	vlaneseq.u32;
	[smem:$0x7FF] =	sst s14;
	s4 =	smul.u32 $0x1A0, s1;
	s24 =	sshrl.u32 s0, $0x1  }
0xb: {  	s3 =	sadd.s32 $0xFE00, s2;
	v0 =	vmul.u32 $0x10, v1;
	_ =	strace $0x80000047;
	s0 =	ssub.s32 s0, s24  }
0xc: {  	v1 =	vmul.u32 $0x8, v1;
	s1 =	smul.u32 $0x1A00, s1;
	s4 =	sadd.s32 s4, s2;
	s0 =	smax.u32 s0, $0x1  }
0xd: {  	v2 =	vor.u32 $0x1, v0;
	v3 =	vor.u32 $0x2, v0;
	v4 =	vor.u32 $0x3, v0;
	s24 =	simm.s32 $0x1FB0;
	s25 =	sadd.s32 $0xCA00, s4;
	[dreg:$0x5] =	wrdreg s0  }
0xe: {  	v5 =	vor.u32 $0x4, v0;
	v6 =	vor.u32 $0x5, v0;
	v7 =	vor.u32 $0x6, v0;
	s1 =	sadd.s32 s1, s2;
	s26 =	sadd.s32 $0x9600, s4;
	[dreg:$0x2] =	wrdreg s25  }
0xf: {  	v8 =	vor.u32 $0x7, v0;
	v9 =	vor.u32 $0x8, v0;
	v10 =	vor.u32 $0x9, v0;
	s2 =	simm.s32 $0x7B80;
	s1 =	sadd.s32 $0x505800, s1;
	[dreg:$0x3] =	wrdreg s26  }
0x10: {  	v11 =	vor.u32 $0xA, v0;
	v12 =	vor.u32 $0xB, v0;
	v13 =	vor.u32 $0xC, v0;
	s0 =	simm.s32 $0x22F0;
	s4 =	simm.s32 $0x6E80;
	[dreg:$0x4] =	wrdreg s1  }
0x11: {  	v14 =	vor.u32 $0xD, v0;
	v15 =	vor.u32 $0xE, v0;
	v16 =	vor.u32 $0xF, v0;
	s25 =	simm.s32 $0x5480;
	s26 =	simm.s32 $0x2080;
	s1 =	simm.s32 $0x6800  }
.LBB2_1:
0x12: {  	[dreg:$0x6] =	wrdreg s17  }
0x13: {  	s15 =	rddreg [dreg:$0x2]  }
0x14: {  	[tilespmem:s14], [sflag:$0x2] =	stream.linear.gather [hbm4b:s15+s14], $0xD00, $0x38;
	[tilespmem:$0x15F00] =	vst v63  }
0x15: {  	_ =	swait.ge [sflag:s16], $0xD00  }
0x16: {  	[sflag:s16] =	ssyncset.done $0x0  }
0x17: {  	s20 =	simm.s32 $0xD00;
	s21 =	rddreg [dreg:$0x3];
	[sflag:s16] =	ssyncadd.s32 $0xFFFFF300  }
0x18: {  	[tilespmem:s20], [sflag:$0x2] =	stream.linear.gather [hbm4b:s21+s14], $0xD00, $0x38;
	[tilespmem:$0x15F00] =	vst v63  }
0x19: {  	_ =	swait.ge [sflag:s16], $0xD00  }
0x1a: {  	s18 =	simm.s32 $0x8F00;
	[sflag:s16] =	ssyncset.done $0x0  }
0x1b: {  	s17 =	simm.s32 $0x0;
	[sflag:s16] =	ssyncadd.s32 $0xFFFFF300;
	s16 =	simm.s32 $0x0  }
.LBB2_2:
0x1c: {  	v17 =	vmov s16;
	_ =	sdelay $0x3  }
0x1d: {  	s14 =	simm.s32 $0x0;
	s15 =	simm.s32 $0x40  }
.LBB2_3:
0x1e: {  	p0 =	sne.s32 s15, $0x300;
	v18 =	vld.idx.msk [tilespmem:v17+s14+$0x0 ss:$0x1], $0xffff;
	_ =	sdelay $0x5  }
0x1f: {  	v19 =	vadd.s32 $0x30D4, v18;
	v20 =	vadd.s32 $0x61A8, v18;
	v21 =	vadd.s32 $0x927C, v18;
	[tilespmem:s14+$0x1A00] =	vst v18  }
0x20: {  	v22 =	vadd.s32 $0xF424, v18;
	v23 =	vadd.s32 $0x124F8, v18;
	[tilespmem:s14+$0x1AD0] =	vst v19;
	v19 =	vadd.s32 $0xC350, v18  }
0x21: {  	v24 =	vadd.s32 $0x186A0, v18;
	v25 =	vadd.s32 $0x1B774, v18;
	[tilespmem:s14+$0x1BA0] =	vst v20;
	v20 =	vadd.s32 $0x155CC, v18  }
0x22: {  	v26 =	vadd.s32 $0x2191C, v18;
	v27 =	vadd.s32 $0x249F0, v18;
	[tilespmem:s14+$0x1C70] =	vst v21;
	v21 =	vadd.s32 $0x1E848, v18  }
0x23: {  	v28 =	vadd.s32 $0x2AB98, v18;
	[tilespmem:s14+$0x1D40] =	vst v19;
	v19 =	vadd.s32 $0x27AC4, v18;
	v18 =	vadd.s32 $0x2DC6C, v18  }
0x24: {  	[tilespmem:s14+$0x1E10] =	vst v22  }
0x25: {  	[tilespmem:s14+$0x1EE0] =	vst v23  }
0x26: {  	[tilespmem:s14+$0x1FB0] =	vst v20  }
0x27: {  	[tilespmem:s14+$0x2080] =	vst v24  }
0x28: {  	[tilespmem:s14+$0x2150] =	vst v25  }
0x29: {  	[tilespmem:s14+$0x2220] =	vst v21  }
.Ltmp0:
0x2a: {  	[tilespmem:s14+$0x22F0] =	vst v26;
	(pc) =	sbr.rel @p0 .LBB2_3-.Ltmp0, $4  }
0x2b: {  	[tilespmem:s14+$0x23C0] =	vst v27  }
0x2c: {  	[tilespmem:s14+$0x2490] =	vst v19  }
0x2d: {  	[tilespmem:s14+$0x2560] =	vst v28  }
0x2e: {  	[tilespmem:s14+$0x2630] =	vst v18;
	s14 =	sshra.s32 s15, $0x2;
	s15 =	sadd.s32 $0x40, s15  }
0x2f: {  	_ =	sdelay $0x3  }
0x30: {  	v17 =	vld.idx.msk [tilespmem:v17+s14+$0x0 ss:$0x1], $0xffff;
	_ =	sdelay $0x4  }
0x31: {  	[tilespmem:s14+$0x1A00] =	vst v17;
	v18 =	vadd.s32 $0x30D4, v17  }
0x32: {  	v19 =	vadd.s32 $0x61A8, v17;
	[tilespmem:s14+$0x1AD0] =	vst v18  }
0x33: {  	v18 =	vadd.s32 $0x927C, v17;
	[tilespmem:s14+$0x1BA0] =	vst v19  }
0x34: {  	v19 =	vadd.s32 $0xC350, v17;
	[tilespmem:s14+$0x1C70] =	vst v18  }
0x35: {  	v18 =	vadd.s32 $0xF424, v17;
	[tilespmem:s14+$0x1D40] =	vst v19  }
0x36: {  	v19 =	vadd.s32 $0x124F8, v17;
	[tilespmem:s14+$0x1E10] =	vst v18  }
0x37: {  	v18 =	vadd.s32 $0x155CC, v17;
	[tilespmem:s14+$0x1EE0] =	vst v19  }
0x38: {  	v19 =	vadd.s32 $0x186A0, v17;
	[tilespmem:s14+$0x1FB0] =	vst v18  }
0x39: {  	v18 =	vadd.s32 $0x1B774, v17;
	[tilespmem:s14+$0x2080] =	vst v19  }
0x3a: {  	v19 =	vadd.s32 $0x1E848, v17;
	[tilespmem:s14+$0x2150] =	vst v18  }
0x3b: {  	v18 =	vadd.s32 $0x2191C, v17;
	[tilespmem:s14+$0x2220] =	vst v19  }
0x3c: {  	v19 =	vadd.s32 $0x249F0, v17;
	[tilespmem:s14+$0x22F0] =	vst v18  }
0x3d: {  	v18 =	vadd.s32 $0x27AC4, v17;
	[tilespmem:s14+$0x23C0] =	vst v19  }
0x3e: {  	v19 =	vadd.s32 $0x2AB98, v17;
	[tilespmem:s14+$0x2490] =	vst v18  }
0x3f: {  	v17 =	vadd.s32 $0x2DC6C, v17;
	[tilespmem:s14+$0x2560] =	vst v19  }
0x40: {  	s21 =	simm.s32 $0x1A00;
	s15 =	simm.s32 $0x2700;
	[tilespmem:s14+$0x2630] =	vst v17  }
0x41: {  	[tilespmem:s15], [sflag:$0x1] =	stream.indirect.gather [hbm4b:s3+s9], $0x8, s21, s9, $0xb8;
	[tilespmem:$0x15F00] =	vst v63  }
0x42: {  	s19 =	simm.s32 $0x1AD0;
	s21 =	simm.s32 $0x2D80  }
0x43: {  	[tilespmem:s21], [sflag:$0x1] =	stream.indirect.gather [hbm4b:s3+s9], $0x8, s19, s9, $0xb8;
	[tilespmem:$0x15F00] =	vst v63  }
0x44: {  	s19 =	simm.s32 $0x1BA0;
	s21 =	simm.s32 $0x3400  }
0x45: {  	[tilespmem:s21], [sflag:$0x1] =	stream.indirect.gather [hbm4b:s3+s9], $0x8, s19, s9, $0xb8;
	[tilespmem:$0x15F00] =	vst v63  }
0x46: {  	s19 =	simm.s32 $0x1C70;
	s21 =	simm.s32 $0x3A80  }
0x47: {  	[tilespmem:s21], [sflag:$0x1] =	stream.indirect.gather [hbm4b:s3+s9], $0x8, s19, s9, $0xb8;
	[tilespmem:$0x15F00] =	vst v63  }
0x48: {  	s19 =	simm.s32 $0x1D40;
	s21 =	simm.s32 $0x4100  }
0x49: {  	[tilespmem:s21], [sflag:$0x1] =	stream.indirect.gather [hbm4b:s3+s9], $0x8, s19, s9, $0xb8;
	[tilespmem:$0x15F00] =	vst v63  }
0x4a: {  	s15 =	simm.s32 $0x1E10;
	s19 =	simm.s32 $0x4780  }
0x4b: {  	[tilespmem:s19], [sflag:$0x1] =	stream.indirect.gather [hbm4b:s3+s9], $0x8, s15, s9, $0xb8;
	[tilespmem:$0x15F00] =	vst v63  }
0x4c: {  	_ = 	snop  }
0x4d: {  	[tilespmem:s23], [sflag:$0x1] =	stream.indirect.gather [hbm4b:s3+s9], $0x8, s22, s9, $0xb8;
	[tilespmem:$0x15F00] =	vst v63  }
0x4e: {  	_ = 	snop  }
0x4f: {  	[tilespmem:s25], [sflag:$0x1] =	stream.indirect.gather [hbm4b:s3+s9], $0x8, s24, s9, $0xb8;
	[tilespmem:$0x15F00] =	vst v63  }
0x50: {  	_ = 	snop  }
0x51: {  	[tilespmem:s28], [sflag:$0x1] =	stream.indirect.gather [hbm4b:s3+s9], $0x8, s26, s9, $0xb8;
	[tilespmem:$0x15F00] =	vst v63  }
0x52: {  	_ = 	snop  }
0x53: {  	[tilespmem:s30], [sflag:$0x1] =	stream.indirect.gather [hbm4b:s3+s9], $0x8, s29, s9, $0xb8;
	[tilespmem:$0x15F00] =	vst v63  }
0x54: {  	_ = 	snop  }
0x55: {  	[tilespmem:s1], [sflag:$0x1] =	stream.indirect.gather [hbm4b:s3+s9], $0x8, s31, s9, $0xb8;
	[tilespmem:$0x15F00] =	vst v63  }
0x56: {  	_ = 	snop  }
0x57: {  	[tilespmem:s4], [sflag:$0x1] =	stream.indirect.gather [hbm4b:s3+s9], $0x8, s0, s9, $0xb8;
	[tilespmem:$0x15F00] =	vst v63  }
0x58: {  	_ = 	snop  }
0x59: {  	[tilespmem:s6], [sflag:$0x1] =	stream.indirect.gather [hbm4b:s3+s9], $0x8, s5, s9, $0xb8;
	[tilespmem:$0x15F00] =	vst v63  }
0x5a: {  	_ = 	snop  }
0x5b: {  	[tilespmem:s2], [sflag:$0x1] =	stream.indirect.gather [hbm4b:s3+s9], $0x8, s7, s9, $0xb8;
	[tilespmem:$0x15F00] =	vst v63  }
0x5c: {  	_ = 	snop  }
0x5d: {  	[tilespmem:s10], [sflag:$0x1] =	stream.indirect.gather [hbm4b:s3+s9], $0x8, s8, s9, $0xb8;
	[tilespmem:$0x15F00] =	vst v63  }
0x5e: {  	_ = 	snop  }
0x5f: {  	[tilespmem:s12], [sflag:$0x1] =	stream.indirect.gather [hbm4b:s3+s9], $0x8, s11, s9, $0xb8;
	[tilespmem:$0x15F00] =	vst v63  }
0x60: {  	_ =	swait.ge [sflag:s13], $0x680  }
0x61: {  	[sflag:s13] =	ssyncset.done $0x0  }
0x62: {  	[sflag:s13] =	ssyncadd.s32 $0xFFFFF980  }
0x63: {  	_ =	swait.ge [sflag:s13], $0x680  }
0x64: {  	[sflag:s13] =	ssyncset.done $0x0  }
0x65: {  	[sflag:s13] =	ssyncadd.s32 $0xFFFFF980  }
0x66: {  	_ =	swait.ge [sflag:s13], $0x680  }
0x67: {  	[sflag:s13] =	ssyncset.done $0x0  }
0x68: {  	[sflag:s13] =	ssyncadd.s32 $0xFFFFF980  }
0x69: {  	_ =	swait.ge [sflag:s13], $0x680  }
0x6a: {  	[sflag:s13] =	ssyncset.done $0x0  }
0x6b: {  	[sflag:s13] =	ssyncadd.s32 $0xFFFFF980  }
0x6c: {  	_ =	swait.ge [sflag:s13], $0x680  }
0x6d: {  	[sflag:s13] =	ssyncset.done $0x0  }
0x6e: {  	[sflag:s13] =	ssyncadd.s32 $0xFFFFF980  }
0x6f: {  	_ =	swait.ge [sflag:s13], $0x680  }
0x70: {  	[sflag:s13] =	ssyncset.done $0x0  }
0x71: {  	[sflag:s13] =	ssyncadd.s32 $0xFFFFF980  }
0x72: {  	_ =	swait.ge [sflag:s13], $0x680  }
0x73: {  	[sflag:s13] =	ssyncset.done $0x0  }
0x74: {  	[sflag:s13] =	ssyncadd.s32 $0xFFFFF980  }
0x75: {  	_ =	swait.ge [sflag:s13], $0x680  }
0x76: {  	[sflag:s13] =	ssyncset.done $0x0  }
0x77: {  	[sflag:s13] =	ssyncadd.s32 $0xFFFFF980  }
0x78: {  	_ =	swait.ge [sflag:s13], $0x680  }
0x79: {  	[sflag:s13] =	ssyncset.done $0x0  }
0x7a: {  	[sflag:s13] =	ssyncadd.s32 $0xFFFFF980  }
0x7b: {  	_ =	swait.ge [sflag:s13], $0x680  }
0x7c: {  	[sflag:s13] =	ssyncset.done $0x0  }
0x7d: {  	[sflag:s13] =	ssyncadd.s32 $0xFFFFF980  }
0x7e: {  	_ =	swait.ge [sflag:s13], $0x680  }
0x7f: {  	[sflag:s13] =	ssyncset.done $0x0  }
0x80: {  	[sflag:s13] =	ssyncadd.s32 $0xFFFFF980  }
0x81: {  	_ =	swait.ge [sflag:s13], $0x680  }
0x82: {  	[sflag:s13] =	ssyncset.done $0x0  }
0x83: {  	[sflag:s13] =	ssyncadd.s32 $0xFFFFF980  }
0x84: {  	_ =	swait.ge [sflag:s13], $0x680  }
0x85: {  	[sflag:s13] =	ssyncset.done $0x0  }
0x86: {  	[sflag:s13] =	ssyncadd.s32 $0xFFFFF980  }
0x87: {  	_ =	swait.ge [sflag:s13], $0x680  }
0x88: {  	[sflag:s13] =	ssyncset.done $0x0  }
0x89: {  	[sflag:s13] =	ssyncadd.s32 $0xFFFFF980  }
0x8a: {  	_ =	swait.ge [sflag:s13], $0x680  }
0x8b: {  	[sflag:s13] =	ssyncset.done $0x0  }
0x8c: {  	[sflag:s13] =	ssyncadd.s32 $0xFFFFF980  }
0x8d: {  	_ =	swait.ge [sflag:s13], $0x680  }
0x8e: {  	[sflag:s13] =	ssyncset.done $0x0  }
0x8f: {  	[sflag:s13] =	ssyncadd.s32 $0xFFFFF980  }
0x90: {  	v17 =	vld [tilespmem:s20+$0x0];
	_ =	sdelay $0x4  }
0x91: {  	v17 =	vadd.s32 v1, v17;
	_ =	sdelay $0x3  }
0x92: {  	s21 =	simm.s32 $0x0  }
0x93: {  	v18 =	vld.idx.msk [tilespmem:v17+s21+$0x2700], $0xffff;
	_ =	sdelay $0x4  }
0x94: {  	[tilespmem:v0+s18+$0x0] =	vst.idx.msk $0xffff, v18  }
0x95: {  	v18 =	vld.idx.msk [tilespmem:v17+s21+$0x2D80], $0xffff;
	_ =	sdelay $0x4  }
0x96: {  	[tilespmem:v2+s18+$0x0] =	vst.idx.msk $0xffff, v18  }
0x97: {  	v18 =	vld.idx.msk [tilespmem:v17+s21+$0x3400], $0xffff;
	_ =	sdelay $0x4  }
0x98: {  	[tilespmem:v3+s18+$0x0] =	vst.idx.msk $0xffff, v18  }
0x99: {  	v18 =	vld.idx.msk [tilespmem:v17+s21+$0x3A80], $0xffff;
	_ =	sdelay $0x4  }
0x9a: {  	[tilespmem:v4+s18+$0x0] =	vst.idx.msk $0xffff, v18  }
0x9b: {  	v18 =	vld.idx.msk [tilespmem:v17+s21+$0x4100], $0xffff;
	_ =	sdelay $0x4  }
0x9c: {  	[tilespmem:v5+s18+$0x0] =	vst.idx.msk $0xffff, v18  }
0x9d: {  	v18 =	vld.idx.msk [tilespmem:v17+s21+$0x4780], $0xffff;
	_ =	sdelay $0x4  }
0x9e: {  	[tilespmem:v6+s18+$0x0] =	vst.idx.msk $0xffff, v18  }
0x9f: {  	v18 =	vld.idx.msk [tilespmem:v17+s21+$0x4E00], $0xffff;
	_ =	sdelay $0x4  }
0xa0: {  	[tilespmem:v7+s18+$0x0] =	vst.idx.msk $0xffff, v18  }
0xa1: {  	v18 =	vld.idx.msk [tilespmem:v17+s21+$0x5480], $0xffff;
	_ =	sdelay $0x4  }
0xa2: {  	[tilespmem:v8+s18+$0x0] =	vst.idx.msk $0xffff, v18  }
0xa3: {  	v18 =	vld.idx.msk [tilespmem:v17+s21+$0x5B00], $0xffff;
	_ =	sdelay $0x4  }
0xa4: {  	[tilespmem:v9+s18+$0x0] =	vst.idx.msk $0xffff, v18  }
0xa5: {  	v18 =	vld.idx.msk [tilespmem:v17+s21+$0x6180], $0xffff;
	_ =	sdelay $0x4  }
0xa6: {  	[tilespmem:v10+s18+$0x0] =	vst.idx.msk $0xffff, v18  }
0xa7: {  	v18 =	vld.idx.msk [tilespmem:v17+s21+$0x6800], $0xffff;
	_ =	sdelay $0x4  }
0xa8: {  	[tilespmem:v11+s18+$0x0] =	vst.idx.msk $0xffff, v18  }
0xa9: {  	v18 =	vld.idx.msk [tilespmem:v17+s21+$0x6E80], $0xffff;
	_ =	sdelay $0x4  }
0xaa: {  	[tilespmem:v12+s18+$0x0] =	vst.idx.msk $0xffff, v18  }
0xab: {  	v18 =	vld.idx.msk [tilespmem:v17+s21+$0x7500], $0xffff;
	_ =	sdelay $0x4  }
0xac: {  	[tilespmem:v13+s18+$0x0] =	vst.idx.msk $0xffff, v18  }
0xad: {  	v18 =	vld.idx.msk [tilespmem:v17+s21+$0x7B80], $0xffff;
	_ =	sdelay $0x4  }
0xae: {  	[tilespmem:v14+s18+$0x0] =	vst.idx.msk $0xffff, v18  }
0xaf: {  	v18 =	vld.idx.msk [tilespmem:v17+s21+$0x8200], $0xffff;
	_ =	sdelay $0x4  }
0xb0: {  	[tilespmem:v15+s18+$0x0] =	vst.idx.msk $0xffff, v18  }
0xb1: {  	s14 =	smov.u32 s20;
	s19 =	simm.s32 $0x200;
	s15 =	smov.u32 s18;
	v17 =	vld.idx.msk [tilespmem:v17+s21+$0x8880], $0xffff  }
.LBB2_5:
0xb2: {  	_ =	sdelay $0x3  }
0xb3: {  	p0 =	sne.s32 s19, $0x1800;
	s14 =	sadd.s32 $0x10, s14;
	[tilespmem:v16+s15+$0x0] =	vst.idx.msk $0xffff, v17;
	s15 =	sadd.s32 $0x100, s15  }
0xb4: {  	s21 =	smov.u32 s19;
	s19 =	sadd.s32 $0x200, s19;
	v17 =	vld [tilespmem:s14+$0x0];
	_ =	sdelay $0x4  }
0xb5: {  	v17 =	vadd.s32 v1, v17;
	_ =	sdelay $0x3  }
0xb6: {  	s21 =	sshra.s32 s21, $0x2  }
0xb7: {  	v18 =	vld.idx.msk [tilespmem:v17+s21+$0x2700], $0xffff;
	_ =	sdelay $0x5  }
0xb8: {  	[tilespmem:v0+s15+$0x0] =	vst.idx.msk $0xffff, v18  }
0xb9: {  	v18 =	vld.idx.msk [tilespmem:v17+s21+$0x2D80], $0xffff;
	_ =	sdelay $0x5  }
0xba: {  	[tilespmem:v2+s15+$0x0] =	vst.idx.msk $0xffff, v18  }
0xbb: {  	v18 =	vld.idx.msk [tilespmem:v17+s21+$0x3400], $0xffff;
	_ =	sdelay $0x5  }
0xbc: {  	[tilespmem:v3+s15+$0x0] =	vst.idx.msk $0xffff, v18  }
0xbd: {  	v18 =	vld.idx.msk [tilespmem:v17+s21+$0x3A80], $0xffff;
	_ =	sdelay $0x5  }
0xbe: {  	[tilespmem:v4+s15+$0x0] =	vst.idx.msk $0xffff, v18  }
0xbf: {  	v18 =	vld.idx.msk [tilespmem:v17+s21+$0x4100], $0xffff;
	_ =	sdelay $0x5  }
0xc0: {  	[tilespmem:v5+s15+$0x0] =	vst.idx.msk $0xffff, v18  }
0xc1: {  	v18 =	vld.idx.msk [tilespmem:v17+s21+$0x4780], $0xffff;
	_ =	sdelay $0x5  }
0xc2: {  	[tilespmem:v6+s15+$0x0] =	vst.idx.msk $0xffff, v18  }
0xc3: {  	v18 =	vld.idx.msk [tilespmem:v17+s21+$0x4E00], $0xffff;
	_ =	sdelay $0x5  }
0xc4: {  	[tilespmem:v7+s15+$0x0] =	vst.idx.msk $0xffff, v18  }
0xc5: {  	v18 =	vld.idx.msk [tilespmem:v17+s21+$0x5480], $0xffff;
	_ =	sdelay $0x5  }
0xc6: {  	[tilespmem:v8+s15+$0x0] =	vst.idx.msk $0xffff, v18  }
0xc7: {  	v18 =	vld.idx.msk [tilespmem:v17+s21+$0x5B00], $0xffff;
	_ =	sdelay $0x5  }
0xc8: {  	[tilespmem:v9+s15+$0x0] =	vst.idx.msk $0xffff, v18  }
0xc9: {  	v18 =	vld.idx.msk [tilespmem:v17+s21+$0x6180], $0xffff;
	_ =	sdelay $0x5  }
0xca: {  	[tilespmem:v10+s15+$0x0] =	vst.idx.msk $0xffff, v18  }
0xcb: {  	v18 =	vld.idx.msk [tilespmem:v17+s21+$0x6800], $0xffff;
	_ =	sdelay $0x5  }
0xcc: {  	[tilespmem:v11+s15+$0x0] =	vst.idx.msk $0xffff, v18  }
0xcd: {  	v18 =	vld.idx.msk [tilespmem:v17+s21+$0x6E80], $0xffff;
	_ =	sdelay $0x5  }
0xce: {  	[tilespmem:v12+s15+$0x0] =	vst.idx.msk $0xffff, v18  }
0xcf: {  	v18 =	vld.idx.msk [tilespmem:v17+s21+$0x7500], $0xffff;
	_ =	sdelay $0x5  }
0xd0: {  	[tilespmem:v13+s15+$0x0] =	vst.idx.msk $0xffff, v18  }
0xd1: {  	v18 =	vld.idx.msk [tilespmem:v17+s21+$0x7B80], $0xffff;
	_ =	sdelay $0x5  }
0xd2: {  	[tilespmem:v14+s15+$0x0] =	vst.idx.msk $0xffff, v18  }
0xd3: {  	v18 =	vld.idx.msk [tilespmem:v17+s21+$0x8200], $0xffff;
	_ =	sdelay $0x2  }
.Ltmp1:
0xd4: {  	(pc) =	sbr.rel @p0 .LBB2_5-.Ltmp1, $3  }
0xd5: {  	_ =	sdelay $0x1  }
0xd6: {  	[tilespmem:v15+s15+$0x0] =	vst.idx.msk $0xffff, v18  }
0xd7: {  	v17 =	vld.idx.msk [tilespmem:v17+s21+$0x8880], $0xffff  }
0xd8: {  	s17 =	sadd.s32 $0x1, s17  }
0xd9: {  	p0 =	sne.s32 s17, $0x10  }
.Ltmp2:
0xda: {  	_ = 	snop;
	(pc) =	sbr.rel @p0 .LBB2_2-.Ltmp2, $2  }
0xdb: {  	_ =	sdelay $0x2  }
0xdc: {  	s16 =	sadd.s32 $0xD0, s16;
	s18 =	sadd.s32 $0xD00, s18;
	s20 =	sadd.s32 $0xD0, s20;
	[tilespmem:v16+s15+$0x0] =	vst.idx.msk $0xffff, v17  }
0xdd: {  	s14 =	simm.s32 $0x0;
	s15 =	rddreg [dreg:$0x4];
	s16 =	simm.s32 $0x8F00  }
0xde: {  	[hbm4b:s15+s14] =	stream.linear.scatter [tilespmem:s16], [sflag:$0x2], $0xD000, $0x38;
	[tilespmem:$0x15F00] =	vst v63  }
0xdf: {  	s16 =	simm.s32 $0x2  }
0xe0: {  	_ =	swait.ge [sflag:s16], $0xD000  }
0xe1: {  	s17 =	rddreg [dreg:$0x6]  }
0xe2: {  	s21 =	rddreg [dreg:$0x5];
	s17 =	sadd.s32 $0x1, s17  }
0xe3: {  	p0 =	sne.s32 s17, s21  }
.Ltmp3:
0xe4: {  	_ = 	snop;
	(pc) =	sbr.rel @p0 .LBB2_1-.Ltmp3, $3  }
0xe5: {  	_ =	sdelay $0x1  }
0xe6: {  	[sflag:s16] =	ssyncset.done $0x0  }
0xe7: {  	[sflag:s16] =	ssyncadd.s32 $0xFFFF3000  }
0xe8: {  	_ =	sfence.sel $0x180000  }
0xe9: {  	[bflag:$0x0] =	sbarrier.arrive $0xFFFF  }
0xea: {  	_ =	strace $0x90000047  }
0xeb: {  	s0 =	stileid.u32;
	[bflag:$0x2] =	sbarrier.arrive $0xFFFF  }
0xec: {  	p0 =	sne.s32 s0, $0x0;
	s0 =	rddreg [dreg:$0x1]  }
0xed: {  	s0 =	sadd.s32 @!p0 $0x100000, s0  }
0xee: {  	[sflag:s0] =	ssyncadd.tile.s32 @!p0 $0x1;
	_ =	shalt  }
.Lfunc_end2:
_tile_overlayer_lowered:
.L_overlay_start_2:
0xef: {  	(tag) =	ssettag $0x2  }
0xf0: {  	s0 =	rddreg [dreg:$0x0];
	s2 =	stileid.u32  }
0xf1: {  	s1 =	rddreg [dreg:$0x1];
	p0 =	sne.s32 s2, $0x0  }
0xf2: {  	s3 =	rddreg [dreg:$0x2];
	[bflag:$0x3] =	sbarrier.arrive $0xFFFF;
	s2 =	simm.s32 @!p0 $0x1C02  }
0xf3: {  	[timem:s3], [sflag:s2] =	dma.local @!p0 [hbm:s0], s1  }
0xf4: {  	s0 =	simm.s32 @!p0 $0x2  }
0xf5: {  	_ =	swait.ge @!p0 [sflag:s0], s1  }
0xf6: {  	s1 =	ssub.s32 @!p0 $0x0, s1;
	[sflag:s0] =	ssyncset.done @!p0 $0x0  }
0xf7: {  	[sflag:s0] =	ssyncadd.s32 @!p0 s1  }
0xf8: {  	[bflag:$0x3] =	sbarrier.arrive $0xFFFF  }
0xf9: {  	_ =	shalt  }

// kernel: kernel.8.cloned.1.call-start
scs
__scs_entry_jumppad:
0x0: {  	(pc) =	sbr.rel $0x88, $3  }
0x1: {  	(tag) =	ssettag $0x0;
	lr =	simm.s32 $0x1  }
0x2: {  	[smem:$0x3F97] =	sst lr;
	_ =	strace $0xD0000000  }
0x3: {  	_ = 	snop  }
0x4: {  	_ = 	snop  }
0x5: {  	_ = 	snop  }
0x6: {  	_ = 	snop  }
0x7: {  	_ = 	snop  }
__scs_overlays_trampoline_lowered:
0x8: {  	[smem:$0x3FA6] =	sst s0  }
0x9: {  	[smem:$0x3FA7] =	sst s1  }
0xa: {  	[smem:$0x3FA8] =	sst s2  }
0xb: {  	[smem:$0x3FA9] =	sst s3  }
0xc: {  	[smem:$0x3FAA] =	sst s4  }
0xd: {  	[smem:$0x3FAB] =	sst s5  }
0xe: {  	[smem:$0x3FAC] =	sst s6  }
0xf: {  	[smem:$0x3FAD] =	sst s7  }
0x10: {  	[smem:$0x3FAE] =	sst s8  }
0x11: {  	[smem:$0x3FAF] =	sst s9;
	s0 =	simm.s32 @!p0 $0x0  }
0x12: {  	s1 =	sld [smem:$0x3F95];
	s0 =	simm.s32 @p0 $0x1  }
0x13: {  	[smem:$0x3FB0] =	sst s0;
	s0 =	simm.s32 @!p1 $0x0  }
0x14: {  	s2 =	sld [smem:$0x3F94];
	s0 =	simm.s32 @p1 $0x1  }
0x15: {  	[smem:$0x3FB1] =	sst s0;
	s0 =	simm.s32 @!p2 $0x0  }
0x16: {  	s3 =	sld [smem:$0x3FDB];
	s0 =	simm.s32 @p2 $0x1  }
0x17: {  	s4 =	simm.s32 $0x1BF5;
	[smem:$0x3FB3] =	sst s0  }
0x18: {  	s0 =	sld [smem:$0x3F96];
	_ =	swait.ge [sflag:s4], $0x0  }
0x19: {  	s7 =	sld [smem:$0x3F97]  }
0x1a: {  	s8 =	sadd.s32 $0xFFFFE003, lr  }
0x1b: {  	s9 =	sadd.s32 $0xFFFFFEF7, lr;
	s5 =	simm.s32 $0xFFFFFFFF;
	p2 =	slt.u32 s8, $0xFFFFF086  }
0x1c: {  	p1 =	slt.u32 s9, $0xF7A;
	s5 =	simm.s32 @!p2 $0x0  }
0x1d: {  	s5 =	simm.s32 @p1 $0x1;
	p0 =	seq.s32 s7, s2  }
0x1e: {  	s7 =	smul.u32 @!p0 $0xF7A, s2;
	p2 =	seq.s32 @!p0 s5, $0x0  }
0x1f: {  	s9 =	smul.u32 $0xF7A, s1;
	s8 =	simm.s32 @!p0 $0x1BF5;
	p2 =	por !p2, p0  }
0x20: {  	[sflag:s8] =	ssyncset.s32 @!p0 $0xFFFFF086;
	s6 =	sadd.s32 @!p0 s3, s7;
	s7 =	simm.s32 @!p0 $0x108  }
0x21: {  	s3 =	sadd.s32 s3, s9;
	s6 =	sadd.s32 @!p0 $0x88, s6;
	s7 =	simm.s32 @p2 $0x1082  }
0x22: {  	[simem:s7], [sflag:s8] =	dma.local @!p0 [hbm:s6], $0xF7A  }
0x23: {  	s9 =	sor.u32 $0xD0000000, s2;
	s6 =	simm.s32 $0x108;
	_ =	swait.ge @!p0 [sflag:s8], $0x0  }
0x24: {  	s3 =	sadd.s32 $0x88, s3;
	s6 =	simm.s32 @!p1 $0x1082;
	[sflag:s4] =	ssyncset.s32 $0xFFFFF086  }
0x25: {  	[simem:s6], [sflag:s4] =	dma.local [hbm:s3], $0xF7A  }
0x26: {  	[smem:$0x3F97] =	sst s1;
	(tag) =	ssettag s2;
	_ =	strace s9  }
0x27: {  	s1 =	sld [smem:$0x3FA7]  }
0x28: {  	s2 =	sld [smem:$0x3FA8]  }
0x29: {  	s4 =	sld [smem:$0x3FAA]  }
0x2a: {  	p0 =	seq.s32 s5, $0x0;
	s5 =	sld [smem:$0x3FAB]  }
0x2b: {  	s6 =	sld [smem:$0x3FAC]  }
0x2c: {  	s7 =	sld [smem:$0x3FAD]  }
0x2d: {  	s3 =	simm.s32 $0x108;
	s8 =	sld [smem:$0x3FAE]  }
0x2e: {  	s3 =	simm.s32 @!p0 $0x1082;
	s9 =	sld [smem:$0x3FAF]  }
0x2f: {  	lr =	sadd.s32 s0, s3;
	s0 =	sld [smem:$0x3FA6]  }
0x30: {  	s3 =	sld [smem:$0x3FA9]  }
0x31: {  	[smem:$0x3FB2] =	sst s10  }
0x32: {  	s10 =	sld [smem:$0x3FB0];
	_ =	sdelay $0x3  }
0x33: {  	p0 =	seq.s32 s10, $0x1;
	s10 =	sld [smem:$0x3FB2];
	_ =	sdelay $0x3  }
0x34: {  	[smem:$0x3FB2] =	sst s10  }
0x35: {  	s10 =	sld [smem:$0x3FB1];
	_ =	sdelay $0x3  }
0x36: {  	p1 =	seq.s32 s10, $0x1;
	s10 =	sld [smem:$0x3FB2];
	_ =	sdelay $0x3  }
0x37: {  	[smem:$0x3FB2] =	sst s10  }
0x38: {  	s10 =	sld [smem:$0x3FB3]  }
0x39: {  	_ = 	snop;
	(pc) =	sbr.ind lr, $3  }
0x3a: {  	_ = 	snop  }
0x3b: {  	_ = 	snop  }
0x3c: {  	p2 =	seq.s32 s10, $0x1;
	s10 =	sld [smem:$0x3FB2]  }
0x3d: {  	_ =	shalt  }
0x3e: {  	_ =	shalt  }
0x3f: {  	_ =	shalt  }
0x40: {  	_ =	shalt  }
0x41: {  	_ =	shalt  }
0x42: {  	_ =	shalt  }
0x43: {  	_ =	shalt  }
0x44: {  	_ =	shalt  }
0x45: {  	_ =	shalt  }
0x46: {  	_ =	shalt  }
0x47: {  	_ =	shalt  }
0x48: {  	_ =	shalt  }
0x49: {  	_ =	shalt  }
0x4a: {  	_ =	shalt  }
0x4b: {  	_ =	shalt  }
0x4c: {  	_ =	shalt  }
0x4d: {  	_ =	shalt  }
0x4e: {  	_ =	shalt  }
0x4f: {  	_ =	shalt  }
0x50: {  	_ =	shalt  }
0x51: {  	_ =	shalt  }
0x52: {  	_ =	shalt  }
0x53: {  	_ =	shalt  }
0x54: {  	_ =	shalt  }
0x55: {  	_ =	shalt  }
0x56: {  	_ =	shalt  }
0x57: {  	_ =	shalt  }
0x58: {  	_ =	shalt  }
0x59: {  	_ =	shalt  }
0x5a: {  	_ =	shalt  }
0x5b: {  	_ =	shalt  }
0x5c: {  	_ =	shalt  }
0x5d: {  	_ =	shalt  }
0x5e: {  	_ =	shalt  }
0x5f: {  	_ =	shalt  }
0x60: {  	_ =	shalt  }
0x61: {  	_ =	shalt  }
0x62: {  	_ =	shalt  }
0x63: {  	_ =	shalt  }
0x64: {  	_ =	shalt  }
0x65: {  	_ =	shalt  }
0x66: {  	_ =	shalt  }
0x67: {  	_ =	shalt  }
0x68: {  	_ =	shalt  }
0x69: {  	_ =	shalt  }
0x6a: {  	_ =	shalt  }
0x6b: {  	_ =	shalt  }
0x6c: {  	_ =	shalt  }
0x6d: {  	_ =	shalt  }
0x6e: {  	_ =	shalt  }
0x6f: {  	_ =	shalt  }
0x70: {  	_ =	shalt  }
0x71: {  	_ =	shalt  }
0x72: {  	_ =	shalt  }
0x73: {  	_ =	shalt  }
0x74: {  	_ =	shalt  }
0x75: {  	_ =	shalt  }
0x76: {  	_ =	shalt  }
0x77: {  	_ =	shalt  }
0x78: {  	_ =	shalt  }
0x79: {  	_ =	shalt  }
0x7a: {  	_ =	shalt  }
0x7b: {  	_ =	shalt  }
0x7c: {  	_ =	shalt  }
0x7d: {  	_ =	shalt  }
0x7e: {  	_ =	shalt  }
0x7f: {  	_ =	shalt  }
0x80: {  	_ =	shalt  }
0x81: {  	_ =	shalt  }
0x82: {  	_ =	shalt  }
0x83: {  	_ =	shalt  }
0x84: {  	_ =	shalt  }
0x85: {  	_ =	shalt  }
0x86: {  	_ =	shalt  }
0x87: {  	_ =	shalt  }
.Lfunc_end0:
.L_simem_size_0:
called_computation.1_lowered:
.L_overlay_start_0:
0x88: {  	s2 =	sld [smem:$0x3FD9]  }
0x89: {  	s3 =	sld [smem:$0x3FFE];
	_ =	sdelay $0x1  }
0x8a: {  	s1 =	srdreg.scid  }
0x8b: {  	s0 =	sand.u32 $0x1, s1  }
0x8c: {  	s17 =	sshll.u32 s0, $0xA;
	s2 =	sadd.s32 s3, s2  }
0x8d: {  	s2 =	sadd.s32 s2, s17  }
0x8e: {  	[smem:$0x3FBE] =	sst s2  }
0x8f: {  	_ = 	snop  }
0x90: {  	(tm) =	ssettm $0x1  }
0x91: {  	s18 =	sld [smem:$0x3FFB];
	_ =	sdelay $0x3  }
0x92: {  	_ =	strace s18  }
0x93: {  	s2 =	sld [smem:$0x3FFC];
	_ =	sdelay $0x3  }
0x94: {  	_ =	strace s2  }
0x95: {  	s2 =	sld [smem:$0x3FFD];
	_ =	sdelay $0x3  }
0x96: {  	_ =	strace s2  }
0x97: {  	_ =	strace $0x8FFFFFFF  }
0x98: {  	s19 =	sld [smem:$0x3FDB];
	_ =	sdelay $0x1  }
0x99: {  	s20 =	simm.s32 $_scs_section_size  }
0x9a: {  	s4 =	simm.s32 $_size__tile_overlayer_lowered;
	s5 =	simm.s32 $_tile_overlayer_lowered  }
0x9b: {  	s6 =	simm.s32 $0x1BFF;
	s21 =	sshll.u32 s5, $0x1;
	s3 =	sadd.s32 s20, s19  }
0x9c: {  	s22 =	simm.s32 $0x0;
	s4 =	sshll.u32 s4, $0x1;
	s5 =	sadd.s32 s21, s3  }
0x9d: {  	[timem:s22], [sflag:s6] =	dma.local [hbm:s5], s4  }
0x9e: {  	_ =	swait.ge [sflag:s6], s4  }
0x9f: {  	s4 =	ssub.s32 $0x0, s4;
	[sflag:s6] =	ssyncset.done $0x0  }
0xa0: {  	[sflag:s6] =	ssyncadd.s32 s4;
	_ =	sdelay $0x1  }
0xa1: {  	s23 =	simm.s32 $0x1B8B  }
0xa2: {  	_ =	swait.ge [sflag:s23], $0x1  }
0xa3: {  	[sflag:s23] =	ssyncset.done $0x0  }
0xa4: {  	[sflag:s23] =	ssyncadd.s32 $0xFFFFFFFF  }
0xa5: {  	s4 =	sld [smem:$0x0]  }
0xa6: {  	s5 =	sand.u32 $0xFFFFFFFE, s1  }
0xa7: {  	p0 =	sne.s32 s1, s5  }
0xa8: {  	s5 =	sshll.u32 @p0 s5, $0xE  }
0xa9: {  	s5 =	sadd.s32 @p0 $0x11B8D, s5;
	s6 =	sshll.u32 @p0 s4, $0x11  }
0xaa: {  	s5 =	sor.u32 @p0 s6, s5  }
0xab: {  	[sflag:s5] =	ssyncadd.remote.s32 @p0 $0x1;
	_ =	sdelay $0x1  }
0xac: {  	s5 =	simm.s32 @p0 $0x1B8D  }
0xad: {  	_ =	swait.eq @p0 [sflag:s5], $0x1  }
0xae: {  	[sflag:s5] =	ssyncadd.s32 @p0 $0xFFFFFFFF  }
0xaf: {  	s6 =	sshll.u32 @!p0 s1, $0xE  }
0xb0: {  	s6 =	sor.u32 @!p0 $0x4000, s6;
	s5 =	simm.s32 @!p0 $0x1B8D  }
0xb1: {  	s4 =	sshll.u32 @!p0 s4, $0x11;
	s6 =	sadd.s32 @!p0 $0x11B8D, s6;
	_ =	swait.eq @!p0 [sflag:s5], $0x1  }
0xb2: {  	s4 =	sor.u32 @!p0 s4, s6;
	[sflag:s5] =	ssyncadd.s32 @!p0 $0xFFFFFFFF  }
0xb3: {  	s25 =	simm.s32 $0x1B8E;
	s24 =	sld [smem:$0x3FFE];
	[sflag:s4] =	ssyncadd.remote.s32 @!p0 $0x1  }
0xb4: {  	s26 =	simm.s32 $execute0_lowered;
	[smem:$0x3FD2] =	sst s25  }
0xb5: {  	s5 =	sshll.u32 s26, $0x1;
	_ =	strace $0x80000049;
	[dreg:$0x1] =	wrdreg $0xFFFFFFFF  }
0xb6: {  	s28 =	simm.s32 $_size_execute0_lowered;
	s3 =	sadd.s32 s3, s5;
	[dreg:$0x0] =	wrdreg $0x0  }
0xb7: {  	s5 =	sshll.u32 s28, $0x1;
	[dreg:$0x2] =	wrdreg s3  }
0xb8: {  	[dreg:$0x3] =	wrdreg s5  }
0xb9: {  	[dreg:$0x4] =	wrdreg $0xC0  }
0xba: {  	_ =	task [dreg:s22], $0x5FFFF  }
0xbb: {  	[dreg:$0x1] =	wrdreg $0xFFFFFFFF  }
0xbc: {  	[dreg:$0x0] =	wrdreg $0x60  }
0xbd: {  	[dreg:$0x2] =	wrdreg s24  }
0xbe: {  	[dreg:$0x3] =	wrdreg $0xA  }
0xbf: {  	_ =	task.clear_ibuf [dreg:s22], $0x4FFFF;
	_ =	strace $0x90000049  }
0xc0: {  	s29 =	simm.s32 $0xA;
	_ =	strace $0x8000004B  }
0xc1: {  	_ =	swait.ge [sflag:s29], $0x1  }
0xc2: {  	[sflag:s29] =	ssyncadd.s32 $0xFFFFFFFF  }
0xc3: {  	_ =	strace $0x9000004B  }
0xc4: {  	_ =	sfence  }
0xc5: {  	s30 =	sld [smem:$0x0];
	_ =	sdelay $0x2  }
0xc6: {  	s31 =	sshll.u32 s1, $0xD;
	s1 =	sshrl.u32 s1, $0x2  }
0xc7: {  	s4 =	sand.u32 $0x4000, s31;
	s1 =	sadd.s32 s1, s30  }
0xc8: {  	s0 =	sor.u32 s4, s0;
	s1 =	sshll.u32 s1, $0x11  }
0xc9: {  	s0 =	sor.u32 s1, s0  }
0xca: {  	s0 =	sadd.s32 $0x8F2B, s0  }
0xcb: {  	[sflag:s0] =	ssyncadd.remote.s32 $0x1  }
0xcc: {  	_ =	sfence.sel $0xFFFF  }
0xcd: {  	[dreg:$0x0] =	wrdreg $0xFFFFFFFF;
	(pc) =	sbr.abs _section_cstart, $3  }
0xce: {  	[dreg:$0x1] =	wrdreg $0xFFFFFFFF  }
0xcf: {  	_ =	task.clear_ibuf [dreg:s22], $0x2FFFF;
	_ =	strace $0x9FFFFFFF  }
0xd0: {  	(tm) =	ssettm $0x7FFFFFFF  }
0xd1: {  	_ =	shalt  }
tec
execute0_lowered:
.L_overlay_start_1:
0x0: {  	(tag) =	ssettag $0x1  }
0x1: {  	s1 =	srdreg.scid;
	s0 =	stileid.u32  }
0x2: {  	s6 =	sand.u32 $0x1, s1;
	s30 =	sshll.u32 s0, $0x1  }
0x3: {  	s8 =	rddreg [dreg:$0x0];
	s7 =	sor.u32 s6, s30  }
0x4: {  	s2 =	simm.s32 $0x0;
	s1 =	rddreg [dreg:$0x1];
	s3 =	smul.u32 $0x1A0, s7  }
0x5: {  	[smem:$0x7FF] =	sst s2;
	s5 =	sadd.s32 $0x539800, s8  }
0x6: {  	_ =	strace $0x8000004A;
	s10 =	ssub.s32 $0x2, s6;
	s3 =	sadd.s32 s3, s8  }
0x7: {  	s6 =	simm.s32 $0xD00;
	s4 =	sadd.s32 $0x1600, s3;
	s3 =	simm.s32 $0x2  }
0x8: {  	[tilespmem:s2], [sflag:$0x2] =	stream.linear.gather [hbm4b:s4+s2], $0xD00, $0x38;
	[tilespmem:$0x7500] =	vst v63  }
0x9: {  	s9 =	smul.u32 $0xD00, s7;
	s11 =	sshrl.u32 s10, $0x1;
	_ =	swait.ge [sflag:s3], $0xD00  }
0xa: {  	s7 =	simm.s32 $0x1;
	s31 =	ssub.s32 s10, s11;
	[sflag:s3] =	ssyncset.done $0x0  }
0xb: {  	s8 =	sadd.s32 s9, s8;
	s9 =	smax.u32 s31, $0x1;
	[sflag:s3] =	ssyncadd.s32 $0xFFFFF300  }
0xc: {  	[tilespmem:s6], [sflag:$0x1] =	stream.indirect.gather [hbm4b:s5+s6], $0x8, s2, s6, $0xb8;
	[tilespmem:$0x7500] =	vst v63  }
0xd: {  	p0 =	sne.s32 s9, $0x1;
	_ =	swait.ge [sflag:s7], $0x6800  }
.Ltmp0:
0xe: {  	[sflag:s7] =	ssyncset.done $0x0;
	(pc) =	sbr.rel @!p0 .LBB2_2-.Ltmp0, $4  }
0xf: {  	s8 =	sadd.s32 $0x588E00, s8;
	[sflag:s7] =	ssyncadd.s32 $0xFFFF9800  }
0x10: {  	[hbm4b:s8+s2] =	stream.linear.scatter [tilespmem:s6], [sflag:$0x2], $0x6800, $0x38;
	[tilespmem:$0x7500] =	vst v63  }
0x11: {  	_ =	swait.ge [sflag:s3], $0x6800  }
0x12: {  	s9 =	sadd.s32 $0xFFFFFFFF, s9;
	[sflag:s3] =	ssyncset.done $0x0  }
.LBB2_1:
0x13: {  	p0 =	sne.s32 s9, $0x1;
	s9 =	sadd.s32 $0xFFFFFFFF, s9;
	[sflag:s3] =	ssyncadd.s32 $0xFFFF9800  }
0x14: {  	[tilespmem:s2], [sflag:$0x2] =	stream.linear.gather [hbm4b:s4+s2], $0xD00, $0x38;
	[tilespmem:$0x7500] =	vst v63  }
0x15: {  	_ =	swait.ge [sflag:s3], $0xD00  }
0x16: {  	[sflag:s3] =	ssyncset.done $0x0  }
0x17: {  	[sflag:s3] =	ssyncadd.s32 $0xFFFFF300  }
0x18: {  	[tilespmem:s6], [sflag:$0x1] =	stream.indirect.gather [hbm4b:s5+s6], $0x8, s2, s6, $0xb8;
	[tilespmem:$0x7500] =	vst v63  }
0x19: {  	_ =	swait.ge [sflag:s7], $0x6800  }
.Ltmp1:
0x1a: {  	[sflag:s7] =	ssyncset.done $0x0;
	(pc) =	sbr.rel @p0 .LBB2_1-.Ltmp1, $4  }
0x1b: {  	[sflag:s7] =	ssyncadd.s32 $0xFFFF9800  }
0x1c: {  	[hbm4b:s8+s2] =	stream.linear.scatter [tilespmem:s6], [sflag:$0x2], $0x6800, $0x38;
	[tilespmem:$0x7500] =	vst v63  }
0x1d: {  	_ =	swait.ge [sflag:s3], $0x6800  }
0x1e: {  	[sflag:s3] =	ssyncset.done $0x0  }
.LBB2_2:
0x1f: {  	[sflag:s3] =	ssyncadd.s32 $0xFFFF9800  }
0x20: {  	_ =	sfence.sel $0x180000  }
0x21: {  	[bflag:$0x0] =	sbarrier.arrive $0xFFFF  }
0x22: {  	p0 =	sne.s32 s0, $0x0;
	_ =	strace $0x9000004A  }
0x23: {  	s0 =	sadd.s32 @!p0 $0x100000, s1;
	[bflag:$0x2] =	sbarrier.arrive $0xFFFF  }
0x24: {  	[sflag:s0] =	ssyncadd.tile.s32 @!p0 $0x1;
	_ =	shalt  }
.Lfunc_end2:
_tile_overlayer_lowered:
.L_overlay_start_2:
0x25: {  	(tag) =	ssettag $0x2  }
0x26: {  	s0 =	rddreg [dreg:$0x0];
	s2 =	stileid.u32  }
0x27: {  	s1 =	rddreg [dreg:$0x1];
	p0 =	sne.s32 s2, $0x0  }
0x28: {  	s3 =	rddreg [dreg:$0x2];
	[bflag:$0x3] =	sbarrier.arrive $0xFFFF;
	s2 =	simm.s32 @!p0 $0x1C02  }
0x29: {  	[timem:s3], [sflag:s2] =	dma.local @!p0 [hbm:s0], s1  }
0x2a: {  	s0 =	simm.s32 @!p0 $0x2  }
0x2b: {  	_ =	swait.ge @!p0 [sflag:s0], s1  }
0x2c: {  	s1 =	ssub.s32 @!p0 $0x0, s1;
	[sflag:s0] =	ssyncset.done @!p0 $0x0  }
0x2d: {  	[sflag:s0] =	ssyncadd.s32 @!p0 s1  }
0x2e: {  	[bflag:$0x3] =	sbarrier.arrive $0xFFFF  }
0x2f: {  	_ =	shalt  }

</sc_bundles>
